<compile_context>
chip_gen: v7x
topology: tpu7x:2x2x1
jax: 0.10.2.dev20260603
libtpu: 0.0.44.dev20260713+nightly
codegen_flags: <defaults>
</compile_context>

<pallas_src>
import functools

import jax
import jax.numpy as jnp
from jax import lax
from jax.experimental import pallas as pl
from jax.experimental.pallas import tpu as pltpu
from jax.experimental.pallas import tpu_sc as plsc

N = 10000
N_PAD = 10240
E = 320000
CH = 79
E_T = CH * 128
E_PAD = 32 * E_T
ROWS_T = 640
D_IN = 128
H1 = 256
H2 = 128


def _deg_body(src_hbm, dst_hbm, zvec_hbm, dout_hbm, din_hbm,
              src_v, dst_v, ones_v, dout_sh, din_sh):
    c = lax.axis_index("c")
    s = lax.axis_index("s")
    wid = c * 16 + s
    row = pl.ds(s * ROWS_T, ROWS_T)
    pltpu.sync_copy(zvec_hbm.at[row], dout_sh.at[row])
    pltpu.sync_copy(zvec_hbm.at[row], din_sh.at[row])
    pltpu.sync_copy(src_hbm.at[wid], src_v)
    pltpu.sync_copy(dst_hbm.at[wid], dst_v)
    for i in range(8):
        ones_v[pl.ds(i * 16, 16)] = jnp.full((16,), 1.0, jnp.float32)
    plsc.subcore_barrier()

    def body(j, carry):
        pltpu.sync_copy(ones_v, dout_sh.at[src_v.at[j]], add=True)
        pltpu.sync_copy(ones_v, din_sh.at[dst_v.at[j]], add=True)
        return carry

    lax.fori_loop(0, CH, body, 0)
    plsc.subcore_barrier()
    pltpu.sync_copy(dout_sh.at[row], dout_hbm.at[wid])
    pltpu.sync_copy(din_sh.at[row], din_hbm.at[wid])


def _edge_body(xp_hbm, nd_hbm, src_hbm, dst_hbm, zrow_hbm, zvec_hbm,
               agg_hbm, c_hbm,
               src_v, dst_v, rows_v, vals_v, agg_sh, c_sh, sem1, sem2):
    c = lax.axis_index("c")
    s = lax.axis_index("s")
    wid = c * 16 + s
    row = pl.ds(s * ROWS_T, ROWS_T)
    pltpu.sync_copy(zrow_hbm.at[row], agg_sh.at[row])
    pltpu.sync_copy(zvec_hbm.at[row], c_sh.at[row])
    pltpu.sync_copy(src_hbm.at[wid], src_v)
    pltpu.sync_copy(dst_hbm.at[wid], dst_v)
    plsc.subcore_barrier()

    def body(j, carry):
        g1 = pltpu.async_copy(xp_hbm.at[src_v.at[j]], rows_v, sem1)
        g2 = pltpu.async_copy(nd_hbm.at[dst_v.at[j]], vals_v, sem2)
        g1.wait()
        g2.wait()
        pltpu.sync_copy(rows_v, agg_sh.at[dst_v.at[j]], add=True)
        pltpu.sync_copy(vals_v, c_sh.at[src_v.at[j]], add=True)
        return carry

    lax.fori_loop(0, CH, body, 0)
    plsc.subcore_barrier()
    pltpu.sync_copy(agg_sh.at[row], agg_hbm.at[wid])
    pltpu.sync_copy(c_sh.at[row], c_hbm.at[wid])


@functools.cache
def _sc_kernels():
    mesh = plsc.VectorSubcoreMesh(core_axis_name="c", subcore_axis_name="s",
                                  num_cores=2, num_subcores=16)
    deg = pl.kernel(
        _deg_body,
        out_type=(
            jax.ShapeDtypeStruct((32, ROWS_T), jnp.float32),
            jax.ShapeDtypeStruct((32, ROWS_T), jnp.float32),
        ),
        mesh=mesh,
        scratch_types=[
            pltpu.VMEM((CH, 128), jnp.int32),
            pltpu.VMEM((CH, 128), jnp.int32),
            pltpu.VMEM((128,), jnp.float32),
            pltpu.VMEM_SHARED((N_PAD,), jnp.float32),
            pltpu.VMEM_SHARED((N_PAD,), jnp.float32),
        ],
    )
    edge = pl.kernel(
        _edge_body,
        out_type=(
            jax.ShapeDtypeStruct((32, ROWS_T, D_IN), jnp.float32),
            jax.ShapeDtypeStruct((32, ROWS_T), jnp.float32),
        ),
        mesh=mesh,
        scratch_types=[
            pltpu.VMEM((CH, 128), jnp.int32),
            pltpu.VMEM((CH, 128), jnp.int32),
            pltpu.VMEM((128, D_IN), jnp.float32),
            pltpu.VMEM((128,), jnp.float32),
            pltpu.VMEM_SHARED((N_PAD, D_IN), jnp.float32),
            pltpu.VMEM_SHARED((N_PAD,), jnp.float32),
            pltpu.SemaphoreType.DMA,
            pltpu.SemaphoreType.DMA,
        ],
    )
    return deg, edge


def _prep_body(x_ref, dop_ref, dip_ref, ns_ref, nd_ref, xp_ref):
    do = dop_ref[0] + dop_ref[1]
    di = dip_ref[0] + dip_ref[1]
    ns = lax.rsqrt(jnp.maximum(do, 1.0))
    nd = lax.rsqrt(jnp.maximum(di, 1.0))
    ns_ref[...] = ns
    nd_ref[...] = nd
    xp_ref[...] = x_ref[...] * ns


_prep = pl.pallas_call(
    _prep_body,
    out_shape=(
        jax.ShapeDtypeStruct((N_PAD, 1), jnp.float32),
        jax.ShapeDtypeStruct((N_PAD, 1), jnp.float32),
        jax.ShapeDtypeStruct((N_PAD, D_IN), jnp.float32),
    ),
)


def _final_body(aggp_ref, cp_ref, nd_ref, ns_ref, w1_ref, b1_ref, w2_ref,
                b2_ref, out_ref):
    agg = (aggp_ref[0] + aggp_ref[1]) * nd_ref[...]
    h = jnp.dot(agg, w1_ref[...], preferred_element_type=jnp.float32)
    q = jnp.maximum(h + b1_ref[...], 0.0) * ns_ref[...]
    cvec = cp_ref[0] + cp_ref[1]
    rid = lax.broadcasted_iota(jnp.int32, (N_PAD, 1), 0)
    cvec = jnp.where(rid < N, cvec, 0.0)
    v = jnp.sum(q * cvec, axis=0, keepdims=True)
    out_ref[...] = (jnp.dot(v, w2_ref[...], preferred_element_type=jnp.float32)
                    * (1.0 / N) + b2_ref[...])


_final = pl.pallas_call(
    _final_body,
    out_shape=jax.ShapeDtypeStruct((1, H2), jnp.float32),
)


def kernel(x, edge_index, W1, b1, W2, b2):
    src = edge_index[0].astype(jnp.int32)
    dst = edge_index[1].astype(jnp.int32)
    pad = E_PAD - E
    padv = jnp.full((pad,), N, jnp.int32)
    src_p = jnp.concatenate([src, padv]).reshape(32, CH, 128)
    dst_p = jnp.concatenate([dst, padv]).reshape(32, CH, 128)
    x_pad = jnp.zeros((N_PAD, D_IN), jnp.float32).at[:N].set(x)
    zvec = jnp.zeros((N_PAD,), jnp.float32)
    zrow = jnp.zeros((N_PAD, D_IN), jnp.float32)

    deg_kernel, edge_kernel = _sc_kernels()
    dout_t, din_t = deg_kernel(src_p, dst_p, zvec)
    ns, nd, xp = _prep(x_pad,
                       dout_t.reshape(2, N_PAD, 1),
                       din_t.reshape(2, N_PAD, 1))
    agg_t, c_t = edge_kernel(xp, nd.reshape(N_PAD), src_p, dst_p, zrow, zvec)
    out = _final(agg_t.reshape(2, N_PAD, D_IN), c_t.reshape(2, N_PAD, 1),
                 nd, ns, W1, b1.reshape(1, H1), W2, b2.reshape(1, H2))
    return out

# --- scband reference (transcript-rebuilt; emitter-appended) ---
"""Pipeline reference for scband-graph-convolution-network-28252294873756 (READ-ONLY COPY).

The authoritative reference and input builder live on the scoring server;
editing this copy changes nothing except your own understanding.
"""

import jax, jax.numpy as jnp
import numpy as np

N_NODES = 10000
N_EDGES = 320000
IN_DIM = 128
HID1 = 256
HID2 = 128

def setup_inputs(seed: int = 0) -> dict:
    key = jax.random.key(seed)
    k1, k2, k3, k4, k5, k6 = jax.random.split(key, 6)
    x = jax.random.normal(k1, (N_NODES, IN_DIM), dtype=jnp.float32)
    edge_index = jax.random.randint(k2, (2, N_EDGES), 0, N_NODES, dtype=jnp.int64)
    # Glorot-style init for GraphConv weights, zero bias (matches DGL defaults)
    W1 = jax.random.normal(k3, (IN_DIM, HID1), dtype=jnp.float32) * (1.0 / np.sqrt(IN_DIM))
    b1 = jnp.zeros((HID1,), dtype=jnp.float32)
    W2 = jax.random.normal(k4, (HID1, HID2), dtype=jnp.float32) * (1.0 / np.sqrt(HID1))
    b2 = jnp.zeros((HID2,), dtype=jnp.float32)
    return {"x": x, "edge_index": edge_index, "W1": W1, "b1": b1, "W2": W2, "b2": b2}

def _graph_conv(h, src, dst, W, b, n_nodes):
    # DGL GraphConv with norm='both':
    # h' = D_in^{-1/2} * A * D_out^{-1/2} * h * W + b
    deg_out = jnp.bincount(src, length=n_nodes).astype(jnp.float32)
    deg_in = jnp.bincount(dst, length=n_nodes).astype(jnp.float32)
    norm_src = jax.lax.rsqrt(jnp.clip(deg_out, 1.0, None))
    norm_dst = jax.lax.rsqrt(jnp.clip(deg_in, 1.0, None))
    h = h * norm_src[:, None]
    # weight applied first (in_dim >= out_dim ordering is math-equivalent)
    h = h @ W
    msg = jnp.take(h, src, axis=0)
    agg = jax.ops.segment_sum(msg, dst, num_segments=n_nodes)
    agg = agg * norm_dst[:, None]
    return agg + b

def reference(x, edge_index, W1, b1, W2, b2):
    src = edge_index[0]
    dst = edge_index[1]
    n_nodes = x.shape[0]
    h = _graph_conv(x, src, dst, W1, b1, n_nodes)
    h = jax.nn.relu(h)
    h = _graph_conv(h, src, dst, W2, b2, n_nodes)
    # dgl.mean_nodes over a single (unbatched) graph -> [1, hidden_dim2]
    hg = jnp.mean(h, axis=0, keepdims=True)
    return hg

if __name__ == "__main__":
    import jax
    _d = setup_inputs()
    print(jax.jit(kernel)(*tuple(_d.values())))

</pallas_src>

<mosaic_0001>
#map = affine_map<(d0, d1) -> (0, 0, 0)>
#map1 = affine_map<(d0, d1) -> (0)>
#map2 = affine_map<(d0, d1) -> (0, 0)>
module attributes {stable_mosaic.version = 14 : i64} {
  func.func @_deg_body(%arg0: i32, %arg1: i32, %arg2: memref<32x79x128xi32, #tpu.memory_space<hbm>>, %arg3: memref<32x79x128xi32, #tpu.memory_space<hbm>>, %arg4: memref<10240xf32, #tpu.memory_space<hbm>>, %arg5: memref<32x640xf32, #tpu.memory_space<hbm>>, %arg6: memref<32x640xf32, #tpu.memory_space<hbm>>, %arg7: memref<79x128xi32, #tpu.memory_space<vmem>>, %arg8: memref<79x128xi32, #tpu.memory_space<vmem>>, %arg9: memref<128xf32, #tpu.memory_space<vmem>>, %arg10: memref<10240xf32, #tpu.memory_space<vmem_shared>>, %arg11: memref<10240xf32, #tpu.memory_space<vmem_shared>>) attributes {dimension_semantics = [#tpu.dimension_semantics<core_parallel>, #tpu.dimension_semantics<subcore_parallel>], iteration_bounds = array<i64: 2, 16>, scalar_prefetch = 0 : i64, scratch_operands = 5 : i64, tpu.core_type = #tpu.core_type<sc_vector_subcore>, window_params = [{transform_indices = #map}, {transform_indices = #map}, {transform_indices = #map1}, {transform_indices = #map2}, {transform_indices = #map2}]} {
    %mul3A = arith.constant 16 : i32
    %mul3A_0 = arith.muli %arg0, %mul3A : i32
    %add3A = arith.addi %mul3A_0, %arg1 : i32
    %mul3A_1 = arith.constant 640 : i32
    %mul3A_2 = arith.muli %arg1, %mul3A_1 : i32
    "tpu.region"() ({
      %run_scoped3A = tpu.sem_alloc : memref<!tpu.dma_semaphore, #tpu.memory_space<semaphore_mem>>
      %dma_start3A = tpu.memref_slice %arg10[%mul3A_2] : memref<10240xf32, #tpu.memory_space<vmem_shared>> -> memref<640xf32, #tpu.memory_space<vmem_shared>>
      %dma_start3A_55 = tpu.memref_slice %arg4[%mul3A_2] : memref<10240xf32, #tpu.memory_space<hbm>> -> memref<640xf32, #tpu.memory_space<hbm>>
      tpu.enqueue_dma source(%dma_start3A_55 : memref<640xf32, #tpu.memory_space<hbm>>) target(%dma_start3A : memref<640xf32, #tpu.memory_space<vmem_shared>>) target_semaphore(%run_scoped3A : memref<!tpu.dma_semaphore, #tpu.memory_space<semaphore_mem>>)
      %dma_wait3A = tpu.memref_slice %arg10[%mul3A_2] : memref<10240xf32, #tpu.memory_space<vmem_shared>> -> memref<640xf32, #tpu.memory_space<vmem_shared>>
      %dma_wait3A_56 = tpu.memref_slice %arg4[%mul3A_2] : memref<10240xf32, #tpu.memory_space<hbm>> -> memref<640xf32, #tpu.memory_space<hbm>>
      tpu.wait_dma2 semaphore(%run_scoped3A : memref<!tpu.dma_semaphore, #tpu.memory_space<semaphore_mem>>) src(%dma_wait3A_56 : memref<640xf32, #tpu.memory_space<hbm>>) dst(%dma_wait3A : memref<640xf32, #tpu.memory_space<vmem_shared>>)
      tpu.yield
    }) : () -> ()
    "tpu.region"() ({
      %run_scoped3A = tpu.sem_alloc : memref<!tpu.dma_semaphore, #tpu.memory_space<semaphore_mem>>
      %dma_start3A = tpu.memref_slice %arg11[%mul3A_2] : memref<10240xf32, #tpu.memory_space<vmem_shared>> -> memref<640xf32, #tpu.memory_space<vmem_shared>>
      %dma_start3A_55 = tpu.memref_slice %arg4[%mul3A_2] : memref<10240xf32, #tpu.memory_space<hbm>> -> memref<640xf32, #tpu.memory_space<hbm>>
      tpu.enqueue_dma source(%dma_start3A_55 : memref<640xf32, #tpu.memory_space<hbm>>) target(%dma_start3A : memref<640xf32, #tpu.memory_space<vmem_shared>>) target_semaphore(%run_scoped3A : memref<!tpu.dma_semaphore, #tpu.memory_space<semaphore_mem>>)
      %dma_wait3A = tpu.memref_slice %arg11[%mul3A_2] : memref<10240xf32, #tpu.memory_space<vmem_shared>> -> memref<640xf32, #tpu.memory_space<vmem_shared>>
      %dma_wait3A_56 = tpu.memref_slice %arg4[%mul3A_2] : memref<10240xf32, #tpu.memory_space<hbm>> -> memref<640xf32, #tpu.memory_space<hbm>>
      tpu.wait_dma2 semaphore(%run_scoped3A : memref<!tpu.dma_semaphore, #tpu.memory_space<semaphore_mem>>) src(%dma_wait3A_56 : memref<640xf32, #tpu.memory_space<hbm>>) dst(%dma_wait3A : memref<640xf32, #tpu.memory_space<vmem_shared>>)
      tpu.yield
    }) : () -> ()
    "tpu.region"() ({
      %run_scoped3A = tpu.sem_alloc : memref<!tpu.dma_semaphore, #tpu.memory_space<semaphore_mem>>
      %dma_start3A = arith.constant 0 : i32
      %dma_start3A_55 = arith.constant 0 : i32
      %dma_start3A_56 = tpu.memref_slice %arg2[%add3A, %dma_start3A, %dma_start3A_55] : memref<32x79x128xi32, #tpu.memory_space<hbm>> -> memref<1x79x128xi32, #tpu.memory_space<hbm>>
      %dma_start3A_57 = tpu.memref_squeeze %dma_start3A_56 : memref<1x79x128xi32, #tpu.memory_space<hbm>> -> memref<79x128xi32, #tpu.memory_space<hbm>>
      %dma_start3A_58 = arith.constant 0 : i32
      %dma_start3A_59 = arith.constant 0 : i32
      %dma_start3A_60 = tpu.memref_slice %arg2[%add3A, %dma_start3A_58, %dma_start3A_59] : memref<32x79x128xi32, #tpu.memory_space<hbm>> -> memref<1x79x128xi32, #tpu.memory_space<hbm>>
      %dma_start3A_61 = tpu.memref_squeeze %dma_start3A_60 : memref<1x79x128xi32, #tpu.memory_space<hbm>> -> memref<79x128xi32, #tpu.memory_space<hbm>>
      tpu.enqueue_dma source(%dma_start3A_61 : memref<79x128xi32, #tpu.memory_space<hbm>>) target(%arg7 : memref<79x128xi32, #tpu.memory_space<vmem>>) target_semaphore(%run_scoped3A : memref<!tpu.dma_semaphore, #tpu.memory_space<semaphore_mem>>)
      %dma_wait3A = arith.constant 0 : i32
      %dma_wait3A_62 = arith.constant 0 : i32
      %dma_wait3A_63 = tpu.memref_slice %arg2[%add3A, %dma_wait3A, %dma_wait3A_62] : memref<32x79x128xi32, #tpu.memory_space<hbm>> -> memref<1x79x128xi32, #tpu.memory_space<hbm>>
      %dma_wait3A_64 = tpu.memref_squeeze %dma_wait3A_63 : memref<1x79x128xi32, #tpu.memory_space<hbm>> -> memref<79x128xi32, #tpu.memory_space<hbm>>
      %dma_wait3A_65 = arith.constant 0 : i32
      %dma_wait3A_66 = arith.constant 0 : i32
      %dma_wait3A_67 = tpu.memref_slice %arg2[%add3A, %dma_wait3A_65, %dma_wait3A_66] : memref<32x79x128xi32, #tpu.memory_space<hbm>> -> memref<1x79x128xi32, #tpu.memory_space<hbm>>
      %dma_wait3A_68 = tpu.memref_squeeze %dma_wait3A_67 : memref<1x79x128xi32, #tpu.memory_space<hbm>> -> memref<79x128xi32, #tpu.memory_space<hbm>>
      tpu.wait_dma2 semaphore(%run_scoped3A : memref<!tpu.dma_semaphore, #tpu.memory_space<semaphore_mem>>) src(%dma_wait3A_68 : memref<79x128xi32, #tpu.memory_space<hbm>>) dst(%arg7 : memref<79x128xi32, #tpu.memory_space<vmem>>)
      tpu.yield
    }) : () -> ()
    "tpu.region"() ({
      %run_scoped3A = tpu.sem_alloc : memref<!tpu.dma_semaphore, #tpu.memory_space<semaphore_mem>>
      %dma_start3A = arith.constant 0 : i32
      %dma_start3A_55 = arith.constant 0 : i32
      %dma_start3A_56 = tpu.memref_slice %arg3[%add3A, %dma_start3A, %dma_start3A_55] : memref<32x79x128xi32, #tpu.memory_space<hbm>> -> memref<1x79x128xi32, #tpu.memory_space<hbm>>
      %dma_start3A_57 = tpu.memref_squeeze %dma_start3A_56 : memref<1x79x128xi32, #tpu.memory_space<hbm>> -> memref<79x128xi32, #tpu.memory_space<hbm>>
      %dma_start3A_58 = arith.constant 0 : i32
      %dma_start3A_59 = arith.constant 0 : i32
      %dma_start3A_60 = tpu.memref_slice %arg3[%add3A, %dma_start3A_58, %dma_start3A_59] : memref<32x79x128xi32, #tpu.memory_space<hbm>> -> memref<1x79x128xi32, #tpu.memory_space<hbm>>
      %dma_start3A_61 = tpu.memref_squeeze %dma_start3A_60 : memref<1x79x128xi32, #tpu.memory_space<hbm>> -> memref<79x128xi32, #tpu.memory_space<hbm>>
      tpu.enqueue_dma source(%dma_start3A_61 : memref<79x128xi32, #tpu.memory_space<hbm>>) target(%arg8 : memref<79x128xi32, #tpu.memory_space<vmem>>) target_semaphore(%run_scoped3A : memref<!tpu.dma_semaphore, #tpu.memory_space<semaphore_mem>>)
      %dma_wait3A = arith.constant 0 : i32
      %dma_wait3A_62 = arith.constant 0 : i32
      %dma_wait3A_63 = tpu.memref_slice %arg3[%add3A, %dma_wait3A, %dma_wait3A_62] : memref<32x79x128xi32, #tpu.memory_space<hbm>> -> memref<1x79x128xi32, #tpu.memory_space<hbm>>
      %dma_wait3A_64 = tpu.memref_squeeze %dma_wait3A_63 : memref<1x79x128xi32, #tpu.memory_space<hbm>> -> memref<79x128xi32, #tpu.memory_space<hbm>>
      %dma_wait3A_65 = arith.constant 0 : i32
      %dma_wait3A_66 = arith.constant 0 : i32
      %dma_wait3A_67 = tpu.memref_slice %arg3[%add3A, %dma_wait3A_65, %dma_wait3A_66] : memref<32x79x128xi32, #tpu.memory_space<hbm>> -> memref<1x79x128xi32, #tpu.memory_space<hbm>>
      %dma_wait3A_68 = tpu.memref_squeeze %dma_wait3A_67 : memref<1x79x128xi32, #tpu.memory_space<hbm>> -> memref<79x128xi32, #tpu.memory_space<hbm>>
      tpu.wait_dma2 semaphore(%run_scoped3A : memref<!tpu.dma_semaphore, #tpu.memory_space<semaphore_mem>>) src(%dma_wait3A_68 : memref<79x128xi32, #tpu.memory_space<hbm>>) dst(%arg8 : memref<79x128xi32, #tpu.memory_space<vmem>>)
      tpu.yield
    }) : () -> ()
    %broadcast_in_dim3A = arith.constant 1.000000e+00 : f32
    %broadcast_in_dim3A_3 = vector.broadcast %broadcast_in_dim3A : f32 to vector<16xf32>
    %swap3A = arith.constant 0 : index
    %swap3A_4 = tpu.vector_load %arg9[%swap3A] {strides = array<i32>} : memref<128xf32, #tpu.memory_space<vmem>>, vector<16xf32>,
    %swap3A_5 = vector.shape_cast %swap3A_4 : vector<16xf32> to vector<16xf32>
    %swap3A_6 = vector.shape_cast %broadcast_in_dim3A_3 : vector<16xf32> to vector<16xf32>
    tpu.vector_store %arg9[%swap3A], %swap3A_6 {strides = array<i32>} : memref<128xf32, #tpu.memory_space<vmem>>, vector<16xf32>,
    %broadcast_in_dim3A_7 = arith.constant 1.000000e+00 : f32
    %broadcast_in_dim3A_8 = vector.broadcast %broadcast_in_dim3A_7 : f32 to vector<16xf32>
    %swap3A_9 = arith.constant 16 : index
    %swap3A_10 = tpu.vector_load %arg9[%swap3A_9] {strides = array<i32>} : memref<128xf32, #tpu.memory_space<vmem>>, vector<16xf32>,
    %swap3A_11 = vector.shape_cast %swap3A_10 : vector<16xf32> to vector<16xf32>
    %swap3A_12 = vector.shape_cast %broadcast_in_dim3A_8 : vector<16xf32> to vector<16xf32>
    tpu.vector_store %arg9[%swap3A_9], %swap3A_12 {strides = array<i32>} : memref<128xf32, #tpu.memory_space<vmem>>, vector<16xf32>,
    %broadcast_in_dim3A_13 = arith.constant 1.000000e+00 : f32
    %broadcast_in_dim3A_14 = vector.broadcast %broadcast_in_dim3A_13 : f32 to vector<16xf32>
    %swap3A_15 = arith.constant 32 : index
    %swap3A_16 = tpu.vector_load %arg9[%swap3A_15] {strides = array<i32>} : memref<128xf32, #tpu.memory_space<vmem>>, vector<16xf32>,
    %swap3A_17 = vector.shape_cast %swap3A_16 : vector<16xf32> to vector<16xf32>
    %swap3A_18 = vector.shape_cast %broadcast_in_dim3A_14 : vector<16xf32> to vector<16xf32>
    tpu.vector_store %arg9[%swap3A_15], %swap3A_18 {strides = array<i32>} : memref<128xf32, #tpu.memory_space<vmem>>, vector<16xf32>,
    %broadcast_in_dim3A_19 = arith.constant 1.000000e+00 : f32
    %broadcast_in_dim3A_20 = vector.broadcast %broadcast_in_dim3A_19 : f32 to vector<16xf32>
    %swap3A_21 = arith.constant 48 : index
    %swap3A_22 = tpu.vector_load %arg9[%swap3A_21] {strides = array<i32>} : memref<128xf32, #tpu.memory_space<vmem>>, vector<16xf32>,
    %swap3A_23 = vector.shape_cast %swap3A_22 : vector<16xf32> to vector<16xf32>
    %swap3A_24 = vector.shape_cast %broadcast_in_dim3A_20 : vector<16xf32> to vector<16xf32>
    tpu.vector_store %arg9[%swap3A_21], %swap3A_24 {strides = array<i32>} : memref<128xf32, #tpu.memory_space<vmem>>, vector<16xf32>,
    %broadcast_in_dim3A_25 = arith.constant 1.000000e+00 : f32
    %broadcast_in_dim3A_26 = vector.broadcast %broadcast_in_dim3A_25 : f32 to vector<16xf32>
    %swap3A_27 = arith.constant 64 : index
    %swap3A_28 = tpu.vector_load %arg9[%swap3A_27] {strides = array<i32>} : memref<128xf32, #tpu.memory_space<vmem>>, vector<16xf32>,
    %swap3A_29 = vector.shape_cast %swap3A_28 : vector<16xf32> to vector<16xf32>
    %swap3A_30 = vector.shape_cast %broadcast_in_dim3A_26 : vector<16xf32> to vector<16xf32>
    tpu.vector_store %arg9[%swap3A_27], %swap3A_30 {strides = array<i32>} : memref<128xf32, #tpu.memory_space<vmem>>, vector<16xf32>,
    %broadcast_in_dim3A_31 = arith.constant 1.000000e+00 : f32
    %broadcast_in_dim3A_32 = vector.broadcast %broadcast_in_dim3A_31 : f32 to vector<16xf32>
    %swap3A_33 = arith.constant 80 : index
    %swap3A_34 = tpu.vector_load %arg9[%swap3A_33] {strides = array<i32>} : memref<128xf32, #tpu.memory_space<vmem>>, vector<16xf32>,
    %swap3A_35 = vector.shape_cast %swap3A_34 : vector<16xf32> to vector<16xf32>
    %swap3A_36 = vector.shape_cast %broadcast_in_dim3A_32 : vector<16xf32> to vector<16xf32>
    tpu.vector_store %arg9[%swap3A_33], %swap3A_36 {strides = array<i32>} : memref<128xf32, #tpu.memory_space<vmem>>, vector<16xf32>,
    %broadcast_in_dim3A_37 = arith.constant 1.000000e+00 : f32
    %broadcast_in_dim3A_38 = vector.broadcast %broadcast_in_dim3A_37 : f32 to vector<16xf32>
    %swap3A_39 = arith.constant 96 : index
    %swap3A_40 = tpu.vector_load %arg9[%swap3A_39] {strides = array<i32>} : memref<128xf32, #tpu.memory_space<vmem>>, vector<16xf32>,
    %swap3A_41 = vector.shape_cast %swap3A_40 : vector<16xf32> to vector<16xf32>
    %swap3A_42 = vector.shape_cast %broadcast_in_dim3A_38 : vector<16xf32> to vector<16xf32>
    tpu.vector_store %arg9[%swap3A_39], %swap3A_42 {strides = array<i32>} : memref<128xf32, #tpu.memory_space<vmem>>, vector<16xf32>,
    %broadcast_in_dim3A_43 = arith.constant 1.000000e+00 : f32
    %broadcast_in_dim3A_44 = vector.broadcast %broadcast_in_dim3A_43 : f32 to vector<16xf32>
    %swap3A_45 = arith.constant 112 : index
    %swap3A_46 = tpu.vector_load %arg9[%swap3A_45] {strides = array<i32>} : memref<128xf32, #tpu.memory_space<vmem>>, vector<16xf32>,
    %swap3A_47 = vector.shape_cast %swap3A_46 : vector<16xf32> to vector<16xf32>
    %swap3A_48 = vector.shape_cast %broadcast_in_dim3A_44 : vector<16xf32> to vector<16xf32>
    tpu.vector_store %arg9[%swap3A_45], %swap3A_48 {strides = array<i32>} : memref<128xf32, #tpu.memory_space<vmem>>, vector<16xf32>,
    %barrier3A = arith.constant 0 : index
    tpu.barrier barrier_id(%barrier3A)
    %scan3A = arith.constant 0 : i32
    %scan3A_49 = arith.constant 0 : i32
    %scan3A_50 = arith.constant 79 : i32
    %scan3A_51 = arith.addi %scan3A_49, %scan3A_50 : i32
    %scan3A_52 = arith.constant 1 : i32
    scf.for %scan3A_55 = %scan3A_49 to %scan3A_51 step %scan3A_52  : i32 {
      "tpu.region"() ({
        %run_scoped3A = tpu.sem_alloc : memref<!tpu.dma_semaphore, #tpu.memory_space<semaphore_mem>>
        %dma_start3A = arith.constant 0 : i32
        %dma_start3A_56 = tpu.memref_slice %arg7[%scan3A_55, %dma_start3A] : memref<79x128xi32, #tpu.memory_space<vmem>> -> memref<1x128xi32, #tpu.memory_space<vmem>>
        %dma_start3A_57 = tpu.memref_squeeze %dma_start3A_56 : memref<1x128xi32, #tpu.memory_space<vmem>> -> memref<128xi32, #tpu.memory_space<vmem>>
        %dma_start3A_58 = arith.constant 0 : i32
        %dma_start3A_59 = tpu.memref_slice %arg10[%dma_start3A_58] : memref<10240xf32, #tpu.memory_space<vmem_shared>> -> memref<10240xf32, #tpu.memory_space<vmem_shared>>
        tpu.enqueue_indirect_dma source(%arg9 : memref<128xf32, #tpu.memory_space<vmem>>) target(%dma_start3A_59 : memref<10240xf32, #tpu.memory_space<vmem_shared>>) offsets(%dma_start3A_57 : memref<128xi32, #tpu.memory_space<vmem>>) semaphore(%run_scoped3A : memref<!tpu.dma_semaphore, #tpu.memory_space<semaphore_mem>>) {add = true}
        %dma_wait3A = arith.constant 0 : i32
        %dma_wait3A_60 = tpu.memref_slice %arg7[%scan3A_55, %dma_wait3A] : memref<79x128xi32, #tpu.memory_space<vmem>> -> memref<1x128xi32, #tpu.memory_space<vmem>>
        %dma_wait3A_61 = tpu.memref_squeeze %dma_wait3A_60 : memref<1x128xi32, #tpu.memory_space<vmem>> -> memref<128xi32, #tpu.memory_space<vmem>>
        %dma_wait3A_62 = arith.constant 0 : i32
        %dma_wait3A_63 = tpu.memref_slice %arg10[%dma_wait3A_62] : memref<10240xf32, #tpu.memory_space<vmem_shared>> -> memref<10240xf32, #tpu.memory_space<vmem_shared>>
        tpu.wait_indirect_dma semaphore(%run_scoped3A : memref<!tpu.dma_semaphore, #tpu.memory_space<semaphore_mem>>) src(%arg9 : memref<128xf32, #tpu.memory_space<vmem>>) dst(%dma_wait3A_63 : memref<10240xf32, #tpu.memory_space<vmem_shared>>)
        tpu.yield
      }) : () -> ()
      "tpu.region"() ({
        %run_scoped3A = tpu.sem_alloc : memref<!tpu.dma_semaphore, #tpu.memory_space<semaphore_mem>>
        %dma_start3A = arith.constant 0 : i32
        %dma_start3A_56 = tpu.memref_slice %arg8[%scan3A_55, %dma_start3A] : memref<79x128xi32, #tpu.memory_space<vmem>> -> memref<1x128xi32, #tpu.memory_space<vmem>>
        %dma_start3A_57 = tpu.memref_squeeze %dma_start3A_56 : memref<1x128xi32, #tpu.memory_space<vmem>> -> memref<128xi32, #tpu.memory_space<vmem>>
        %dma_start3A_58 = arith.constant 0 : i32
        %dma_start3A_59 = tpu.memref_slice %arg11[%dma_start3A_58] : memref<10240xf32, #tpu.memory_space<vmem_shared>> -> memref<10240xf32, #tpu.memory_space<vmem_shared>>
        tpu.enqueue_indirect_dma source(%arg9 : memref<128xf32, #tpu.memory_space<vmem>>) target(%dma_start3A_59 : memref<10240xf32, #tpu.memory_space<vmem_shared>>) offsets(%dma_start3A_57 : memref<128xi32, #tpu.memory_space<vmem>>) semaphore(%run_scoped3A : memref<!tpu.dma_semaphore, #tpu.memory_space<semaphore_mem>>) {add = true}
        %dma_wait3A = arith.constant 0 : i32
        %dma_wait3A_60 = tpu.memref_slice %arg8[%scan3A_55, %dma_wait3A] : memref<79x128xi32, #tpu.memory_space<vmem>> -> memref<1x128xi32, #tpu.memory_space<vmem>>
        %dma_wait3A_61 = tpu.memref_squeeze %dma_wait3A_60 : memref<1x128xi32, #tpu.memory_space<vmem>> -> memref<128xi32, #tpu.memory_space<vmem>>
        %dma_wait3A_62 = arith.constant 0 : i32
        %dma_wait3A_63 = tpu.memref_slice %arg11[%dma_wait3A_62] : memref<10240xf32, #tpu.memory_space<vmem_shared>> -> memref<10240xf32, #tpu.memory_space<vmem_shared>>
        tpu.wait_indirect_dma semaphore(%run_scoped3A : memref<!tpu.dma_semaphore, #tpu.memory_space<semaphore_mem>>) src(%arg9 : memref<128xf32, #tpu.memory_space<vmem>>) dst(%dma_wait3A_63 : memref<10240xf32, #tpu.memory_space<vmem_shared>>)
        tpu.yield
      }) : () -> ()
    }
    %scan3A_53 = arith.constant 79 : i32
    %barrier3A_54 = arith.constant 0 : index
    tpu.barrier barrier_id(%barrier3A_54)
    "tpu.region"() ({
      %run_scoped3A = tpu.sem_alloc : memref<!tpu.dma_semaphore, #tpu.memory_space<semaphore_mem>>
      %dma_start3A = arith.constant 0 : i32
      %dma_start3A_55 = tpu.memref_slice %arg5[%add3A, %dma_start3A] : memref<32x640xf32, #tpu.memory_space<hbm>> -> memref<1x640xf32, #tpu.memory_space<hbm>>
      %dma_start3A_56 = tpu.memref_squeeze %dma_start3A_55 : memref<1x640xf32, #tpu.memory_space<hbm>> -> memref<640xf32, #tpu.memory_space<hbm>>
      %dma_start3A_57 = tpu.memref_slice %arg10[%mul3A_2] : memref<10240xf32, #tpu.memory_space<vmem_shared>> -> memref<640xf32, #tpu.memory_space<vmem_shared>>
      tpu.enqueue_dma source(%dma_start3A_57 : memref<640xf32, #tpu.memory_space<vmem_shared>>) target(%dma_start3A_56 : memref<640xf32, #tpu.memory_space<hbm>>) target_semaphore(%run_scoped3A : memref<!tpu.dma_semaphore, #tpu.memory_space<semaphore_mem>>)
      %dma_wait3A = arith.constant 0 : i32
      %dma_wait3A_58 = tpu.memref_slice %arg5[%add3A, %dma_wait3A] : memref<32x640xf32, #tpu.memory_space<hbm>> -> memref<1x640xf32, #tpu.memory_space<hbm>>
      %dma_wait3A_59 = tpu.memref_squeeze %dma_wait3A_58 : memref<1x640xf32, #tpu.memory_space<hbm>> -> memref<640xf32, #tpu.memory_space<hbm>>
      %dma_wait3A_60 = tpu.memref_slice %arg10[%mul3A_2] : memref<10240xf32, #tpu.memory_space<vmem_shared>> -> memref<640xf32, #tpu.memory_space<vmem_shared>>
      tpu.wait_dma2 semaphore(%run_scoped3A : memref<!tpu.dma_semaphore, #tpu.memory_space<semaphore_mem>>) src(%dma_wait3A_60 : memref<640xf32, #tpu.memory_space<vmem_shared>>) dst(%dma_wait3A_59 : memref<640xf32, #tpu.memory_space<hbm>>)
      tpu.yield
    }) : () -> ()
    "tpu.region"() ({
      %run_scoped3A = tpu.sem_alloc : memref<!tpu.dma_semaphore, #tpu.memory_space<semaphore_mem>>
      %dma_start3A = arith.constant 0 : i32
      %dma_start3A_55 = tpu.memref_slice %arg6[%add3A, %dma_start3A] : memref<32x640xf32, #tpu.memory_space<hbm>> -> memref<1x640xf32, #tpu.memory_space<hbm>>
      %dma_start3A_56 = tpu.memref_squeeze %dma_start3A_55 : memref<1x640xf32, #tpu.memory_space<hbm>> -> memref<640xf32, #tpu.memory_space<hbm>>
      %dma_start3A_57 = tpu.memref_slice %arg11[%mul3A_2] : memref<10240xf32, #tpu.memory_space<vmem_shared>> -> memref<640xf32, #tpu.memory_space<vmem_shared>>
      tpu.enqueue_dma source(%dma_start3A_57 : memref<640xf32, #tpu.memory_space<vmem_shared>>) target(%dma_start3A_56 : memref<640xf32, #tpu.memory_space<hbm>>) target_semaphore(%run_scoped3A : memref<!tpu.dma_semaphore, #tpu.memory_space<semaphore_mem>>)
      %dma_wait3A = arith.constant 0 : i32
      %dma_wait3A_58 = tpu.memref_slice %arg6[%add3A, %dma_wait3A] : memref<32x640xf32, #tpu.memory_space<hbm>> -> memref<1x640xf32, #tpu.memory_space<hbm>>
      %dma_wait3A_59 = tpu.memref_squeeze %dma_wait3A_58 : memref<1x640xf32, #tpu.memory_space<hbm>> -> memref<640xf32, #tpu.memory_space<hbm>>
      %dma_wait3A_60 = tpu.memref_slice %arg11[%mul3A_2] : memref<10240xf32, #tpu.memory_space<vmem_shared>> -> memref<640xf32, #tpu.memory_space<vmem_shared>>
      tpu.wait_dma2 semaphore(%run_scoped3A : memref<!tpu.dma_semaphore, #tpu.memory_space<semaphore_mem>>) src(%dma_wait3A_60 : memref<640xf32, #tpu.memory_space<vmem_shared>>) dst(%dma_wait3A_59 : memref<640xf32, #tpu.memory_space<hbm>>)
      tpu.yield
    }) : () -> ()
    return
  }
}

#map = affine_map<(d0, d1) -> (0, 0)>
#map1 = affine_map<(d0, d1) -> (0)>
#map2 = affine_map<(d0, d1) -> (0, 0, 0)>
module attributes {stable_mosaic.version = 14 : i64} {
  func.func @_edge_body(%arg0: i32, %arg1: i32, %arg2: memref<10240x128xf32, #tpu.memory_space<hbm>>, %arg3: memref<10240xf32, #tpu.memory_space<hbm>>, %arg4: memref<32x79x128xi32, #tpu.memory_space<hbm>>, %arg5: memref<32x79x128xi32, #tpu.memory_space<hbm>>, %arg6: memref<10240x128xf32, #tpu.memory_space<hbm>>, %arg7: memref<10240xf32, #tpu.memory_space<hbm>>, %arg8: memref<32x640x128xf32, #tpu.memory_space<hbm>>, %arg9: memref<32x640xf32, #tpu.memory_space<hbm>>, %arg10: memref<79x128xi32, #tpu.memory_space<vmem>>, %arg11: memref<79x128xi32, #tpu.memory_space<vmem>>, %arg12: memref<128x128xf32, #tpu.memory_space<vmem>>, %arg13: memref<128xf32, #tpu.memory_space<vmem>>, %arg14: memref<10240x128xf32, #tpu.memory_space<vmem_shared>>, %arg15: memref<10240xf32, #tpu.memory_space<vmem_shared>>, %arg16: memref<!tpu.dma_semaphore, #tpu.memory_space<semaphore_mem>>, %arg17: memref<!tpu.dma_semaphore, #tpu.memory_space<semaphore_mem>>) attributes {dimension_semantics = [#tpu.dimension_semantics<core_parallel>, #tpu.dimension_semantics<subcore_parallel>], iteration_bounds = array<i64: 2, 16>, scalar_prefetch = 0 : i64, scratch_operands = 8 : i64, tpu.core_type = #tpu.core_type<sc_vector_subcore>, window_params = [{transform_indices = #map}, {transform_indices = #map1}, {transform_indices = #map2}, {transform_indices = #map2}, {transform_indices = #map}, {transform_indices = #map1}, {transform_indices = #map2}, {transform_indices = #map}]} {
    %mul3A = arith.constant 16 : i32
    %mul3A_0 = arith.muli %arg0, %mul3A : i32
    %add3A = arith.addi %mul3A_0, %arg1 : i32
    %mul3A_1 = arith.constant 640 : i32
    %mul3A_2 = arith.muli %arg1, %mul3A_1 : i32
    "tpu.region"() ({
      %run_scoped3A = tpu.sem_alloc : memref<!tpu.dma_semaphore, #tpu.memory_space<semaphore_mem>>
      %dma_start3A = arith.constant 0 : i32
      %dma_start3A_9 = tpu.memref_slice %arg14[%mul3A_2, %dma_start3A] : memref<10240x128xf32, #tpu.memory_space<vmem_shared>> -> memref<640x128xf32, #tpu.memory_space<vmem_shared>>
      %dma_start3A_10 = arith.constant 0 : i32
      %dma_start3A_11 = tpu.memref_slice %arg6[%mul3A_2, %dma_start3A_10] : memref<10240x128xf32, #tpu.memory_space<hbm>> -> memref<640x128xf32, #tpu.memory_space<hbm>>
      tpu.enqueue_dma source(%dma_start3A_11 : memref<640x128xf32, #tpu.memory_space<hbm>>) target(%dma_start3A_9 : memref<640x128xf32, #tpu.memory_space<vmem_shared>>) target_semaphore(%run_scoped3A : memref<!tpu.dma_semaphore, #tpu.memory_space<semaphore_mem>>)
      %dma_wait3A = arith.constant 0 : i32
      %dma_wait3A_12 = tpu.memref_slice %arg14[%mul3A_2, %dma_wait3A] : memref<10240x128xf32, #tpu.memory_space<vmem_shared>> -> memref<640x128xf32, #tpu.memory_space<vmem_shared>>
      %dma_wait3A_13 = arith.constant 0 : i32
      %dma_wait3A_14 = tpu.memref_slice %arg6[%mul3A_2, %dma_wait3A_13] : memref<10240x128xf32, #tpu.memory_space<hbm>> -> memref<640x128xf32, #tpu.memory_space<hbm>>
      tpu.wait_dma2 semaphore(%run_scoped3A : memref<!tpu.dma_semaphore, #tpu.memory_space<semaphore_mem>>) src(%dma_wait3A_14 : memref<640x128xf32, #tpu.memory_space<hbm>>) dst(%dma_wait3A_12 : memref<640x128xf32, #tpu.memory_space<vmem_shared>>)
      tpu.yield
    }) : () -> ()
    "tpu.region"() ({
      %run_scoped3A = tpu.sem_alloc : memref<!tpu.dma_semaphore, #tpu.memory_space<semaphore_mem>>
      %dma_start3A = tpu.memref_slice %arg15[%mul3A_2] : memref<10240xf32, #tpu.memory_space<vmem_shared>> -> memref<640xf32, #tpu.memory_space<vmem_shared>>
      %dma_start3A_9 = tpu.memref_slice %arg7[%mul3A_2] : memref<10240xf32, #tpu.memory_space<hbm>> -> memref<640xf32, #tpu.memory_space<hbm>>
      tpu.enqueue_dma source(%dma_start3A_9 : memref<640xf32, #tpu.memory_space<hbm>>) target(%dma_start3A : memref<640xf32, #tpu.memory_space<vmem_shared>>) target_semaphore(%run_scoped3A : memref<!tpu.dma_semaphore, #tpu.memory_space<semaphore_mem>>)
      %dma_wait3A = tpu.memref_slice %arg15[%mul3A_2] : memref<10240xf32, #tpu.memory_space<vmem_shared>> -> memref<640xf32, #tpu.memory_space<vmem_shared>>
      %dma_wait3A_10 = tpu.memref_slice %arg7[%mul3A_2] : memref<10240xf32, #tpu.memory_space<hbm>> -> memref<640xf32, #tpu.memory_space<hbm>>
      tpu.wait_dma2 semaphore(%run_scoped3A : memref<!tpu.dma_semaphore, #tpu.memory_space<semaphore_mem>>) src(%dma_wait3A_10 : memref<640xf32, #tpu.memory_space<hbm>>) dst(%dma_wait3A : memref<640xf32, #tpu.memory_space<vmem_shared>>)
      tpu.yield
    }) : () -> ()
    "tpu.region"() ({
      %run_scoped3A = tpu.sem_alloc : memref<!tpu.dma_semaphore, #tpu.memory_space<semaphore_mem>>
      %dma_start3A = arith.constant 0 : i32
      %dma_start3A_9 = arith.constant 0 : i32
      %dma_start3A_10 = tpu.memref_slice %arg4[%add3A, %dma_start3A, %dma_start3A_9] : memref<32x79x128xi32, #tpu.memory_space<hbm>> -> memref<1x79x128xi32, #tpu.memory_space<hbm>>
      %dma_start3A_11 = tpu.memref_squeeze %dma_start3A_10 : memref<1x79x128xi32, #tpu.memory_space<hbm>> -> memref<79x128xi32, #tpu.memory_space<hbm>>
      %dma_start3A_12 = arith.constant 0 : i32
      %dma_start3A_13 = arith.constant 0 : i32
      %dma_start3A_14 = tpu.memref_slice %arg4[%add3A, %dma_start3A_12, %dma_start3A_13] : memref<32x79x128xi32, #tpu.memory_space<hbm>> -> memref<1x79x128xi32, #tpu.memory_space<hbm>>
      %dma_start3A_15 = tpu.memref_squeeze %dma_start3A_14 : memref<1x79x128xi32, #tpu.memory_space<hbm>> -> memref<79x128xi32, #tpu.memory_space<hbm>>
      tpu.enqueue_dma source(%dma_start3A_15 : memref<79x128xi32, #tpu.memory_space<hbm>>) target(%arg10 : memref<79x128xi32, #tpu.memory_space<vmem>>) target_semaphore(%run_scoped3A : memref<!tpu.dma_semaphore, #tpu.memory_space<semaphore_mem>>)
      %dma_wait3A = arith.constant 0 : i32
      %dma_wait3A_16 = arith.constant 0 : i32
      %dma_wait3A_17 = tpu.memref_slice %arg4[%add3A, %dma_wait3A, %dma_wait3A_16] : memref<32x79x128xi32, #tpu.memory_space<hbm>> -> memref<1x79x128xi32, #tpu.memory_space<hbm>>
      %dma_wait3A_18 = tpu.memref_squeeze %dma_wait3A_17 : memref<1x79x128xi32, #tpu.memory_space<hbm>> -> memref<79x128xi32, #tpu.memory_space<hbm>>
      %dma_wait3A_19 = arith.constant 0 : i32
      %dma_wait3A_20 = arith.constant 0 : i32
      %dma_wait3A_21 = tpu.memref_slice %arg4[%add3A, %dma_wait3A_19, %dma_wait3A_20] : memref<32x79x128xi32, #tpu.memory_space<hbm>> -> memref<1x79x128xi32, #tpu.memory_space<hbm>>
      %dma_wait3A_22 = tpu.memref_squeeze %dma_wait3A_21 : memref<1x79x128xi32, #tpu.memory_space<hbm>> -> memref<79x128xi32, #tpu.memory_space<hbm>>
      tpu.wait_dma2 semaphore(%run_scoped3A : memref<!tpu.dma_semaphore, #tpu.memory_space<semaphore_mem>>) src(%dma_wait3A_22 : memref<79x128xi32, #tpu.memory_space<hbm>>) dst(%arg10 : memref<79x128xi32, #tpu.memory_space<vmem>>)
      tpu.yield
    }) : () -> ()
    "tpu.region"() ({
      %run_scoped3A = tpu.sem_alloc : memref<!tpu.dma_semaphore, #tpu.memory_space<semaphore_mem>>
      %dma_start3A = arith.constant 0 : i32
      %dma_start3A_9 = arith.constant 0 : i32
      %dma_start3A_10 = tpu.memref_slice %arg5[%add3A, %dma_start3A, %dma_start3A_9] : memref<32x79x128xi32, #tpu.memory_space<hbm>> -> memref<1x79x128xi32, #tpu.memory_space<hbm>>
      %dma_start3A_11 = tpu.memref_squeeze %dma_start3A_10 : memref<1x79x128xi32, #tpu.memory_space<hbm>> -> memref<79x128xi32, #tpu.memory_space<hbm>>
      %dma_start3A_12 = arith.constant 0 : i32
      %dma_start3A_13 = arith.constant 0 : i32
      %dma_start3A_14 = tpu.memref_slice %arg5[%add3A, %dma_start3A_12, %dma_start3A_13] : memref<32x79x128xi32, #tpu.memory_space<hbm>> -> memref<1x79x128xi32, #tpu.memory_space<hbm>>
      %dma_start3A_15 = tpu.memref_squeeze %dma_start3A_14 : memref<1x79x128xi32, #tpu.memory_space<hbm>> -> memref<79x128xi32, #tpu.memory_space<hbm>>
      tpu.enqueue_dma source(%dma_start3A_15 : memref<79x128xi32, #tpu.memory_space<hbm>>) target(%arg11 : memref<79x128xi32, #tpu.memory_space<vmem>>) target_semaphore(%run_scoped3A : memref<!tpu.dma_semaphore, #tpu.memory_space<semaphore_mem>>)
      %dma_wait3A = arith.constant 0 : i32
      %dma_wait3A_16 = arith.constant 0 : i32
      %dma_wait3A_17 = tpu.memref_slice %arg5[%add3A, %dma_wait3A, %dma_wait3A_16] : memref<32x79x128xi32, #tpu.memory_space<hbm>> -> memref<1x79x128xi32, #tpu.memory_space<hbm>>
      %dma_wait3A_18 = tpu.memref_squeeze %dma_wait3A_17 : memref<1x79x128xi32, #tpu.memory_space<hbm>> -> memref<79x128xi32, #tpu.memory_space<hbm>>
      %dma_wait3A_19 = arith.constant 0 : i32
      %dma_wait3A_20 = arith.constant 0 : i32
      %dma_wait3A_21 = tpu.memref_slice %arg5[%add3A, %dma_wait3A_19, %dma_wait3A_20] : memref<32x79x128xi32, #tpu.memory_space<hbm>> -> memref<1x79x128xi32, #tpu.memory_space<hbm>>
      %dma_wait3A_22 = tpu.memref_squeeze %dma_wait3A_21 : memref<1x79x128xi32, #tpu.memory_space<hbm>> -> memref<79x128xi32, #tpu.memory_space<hbm>>
      tpu.wait_dma2 semaphore(%run_scoped3A : memref<!tpu.dma_semaphore, #tpu.memory_space<semaphore_mem>>) src(%dma_wait3A_22 : memref<79x128xi32, #tpu.memory_space<hbm>>) dst(%arg11 : memref<79x128xi32, #tpu.memory_space<vmem>>)
      tpu.yield
    }) : () -> ()
    %barrier3A = arith.constant 0 : index
    tpu.barrier barrier_id(%barrier3A)
    %scan3A = arith.constant 0 : i32
    %scan3A_3 = arith.constant 0 : i32
    %scan3A_4 = arith.constant 79 : i32
    %scan3A_5 = arith.addi %scan3A_3, %scan3A_4 : i32
    %scan3A_6 = arith.constant 1 : i32
    scf.for %scan3A_9 = %scan3A_3 to %scan3A_5 step %scan3A_6  : i32 {
      %dma_start3A = arith.constant 0 : i32
      %dma_start3A_10 = tpu.memref_slice %arg10[%scan3A_9, %dma_start3A] : memref<79x128xi32, #tpu.memory_space<vmem>> -> memref<1x128xi32, #tpu.memory_space<vmem>>
      %dma_start3A_11 = tpu.memref_squeeze %dma_start3A_10 : memref<1x128xi32, #tpu.memory_space<vmem>> -> memref<128xi32, #tpu.memory_space<vmem>>
      %dma_start3A_12 = arith.constant 0 : i32
      %dma_start3A_13 = arith.constant 0 : i32
      %dma_start3A_14 = tpu.memref_slice %arg2[%dma_start3A_12, %dma_start3A_13] : memref<10240x128xf32, #tpu.memory_space<hbm>> -> memref<10240x128xf32, #tpu.memory_space<hbm>>
      tpu.enqueue_indirect_dma source(%dma_start3A_14 : memref<10240x128xf32, #tpu.memory_space<hbm>>) target(%arg12 : memref<128x128xf32, #tpu.memory_space<vmem>>) offsets(%dma_start3A_11 : memref<128xi32, #tpu.memory_space<vmem>>) semaphore(%arg16 : memref<!tpu.dma_semaphore, #tpu.memory_space<semaphore_mem>>)
      %dma_start3A_15 = arith.constant 0 : i32
      %dma_start3A_16 = tpu.memref_slice %arg11[%scan3A_9, %dma_start3A_15] : memref<79x128xi32, #tpu.memory_space<vmem>> -> memref<1x128xi32, #tpu.memory_space<vmem>>
      %dma_start3A_17 = tpu.memref_squeeze %dma_start3A_16 : memref<1x128xi32, #tpu.memory_space<vmem>> -> memref<128xi32, #tpu.memory_space<vmem>>
      %dma_start3A_18 = arith.constant 0 : i32
      %dma_start3A_19 = tpu.memref_slice %arg3[%dma_start3A_18] : memref<10240xf32, #tpu.memory_space<hbm>> -> memref<10240xf32, #tpu.memory_space<hbm>>
      tpu.enqueue_indirect_dma source(%dma_start3A_19 : memref<10240xf32, #tpu.memory_space<hbm>>) target(%arg13 : memref<128xf32, #tpu.memory_space<vmem>>) offsets(%dma_start3A_17 : memref<128xi32, #tpu.memory_space<vmem>>) semaphore(%arg17 : memref<!tpu.dma_semaphore, #tpu.memory_space<semaphore_mem>>)
      %dma_wait3A = arith.constant 0 : i32
      %dma_wait3A_20 = tpu.memref_slice %arg10[%scan3A_9, %dma_wait3A] : memref<79x128xi32, #tpu.memory_space<vmem>> -> memref<1x128xi32, #tpu.memory_space<vmem>>
      %dma_wait3A_21 = tpu.memref_squeeze %dma_wait3A_20 : memref<1x128xi32, #tpu.memory_space<vmem>> -> memref<128xi32, #tpu.memory_space<vmem>>
      %dma_wait3A_22 = arith.constant 0 : i32
      %dma_wait3A_23 = arith.constant 0 : i32
      %dma_wait3A_24 = tpu.memref_slice %arg2[%dma_wait3A_22, %dma_wait3A_23] : memref<10240x128xf32, #tpu.memory_space<hbm>> -> memref<10240x128xf32, #tpu.memory_space<hbm>>
      tpu.wait_indirect_dma semaphore(%arg16 : memref<!tpu.dma_semaphore, #tpu.memory_space<semaphore_mem>>) src(%dma_wait3A_24 : memref<10240x128xf32, #tpu.memory_space<hbm>>) dst(%arg12 : memref<128x128xf32, #tpu.memory_space<vmem>>)
      %dma_wait3A_25 = arith.constant 0 : i32
      %dma_wait3A_26 = tpu.memref_slice %arg11[%scan3A_9, %dma_wait3A_25] : memref<79x128xi32, #tpu.memory_space<vmem>> -> memref<1x128xi32, #tpu.memory_space<vmem>>
      %dma_wait3A_27 = tpu.memref_squeeze %dma_wait3A_26 : memref<1x128xi32, #tpu.memory_space<vmem>> -> memref<128xi32, #tpu.memory_space<vmem>>
      %dma_wait3A_28 = arith.constant 0 : i32
      %dma_wait3A_29 = tpu.memref_slice %arg3[%dma_wait3A_28] : memref<10240xf32, #tpu.memory_space<hbm>> -> memref<10240xf32, #tpu.memory_space<hbm>>
      tpu.wait_indirect_dma semaphore(%arg17 : memref<!tpu.dma_semaphore, #tpu.memory_space<semaphore_mem>>) src(%dma_wait3A_29 : memref<10240xf32, #tpu.memory_space<hbm>>) dst(%arg13 : memref<128xf32, #tpu.memory_space<vmem>>)
      "tpu.region"() ({
        %run_scoped3A = tpu.sem_alloc : memref<!tpu.dma_semaphore, #tpu.memory_space<semaphore_mem>>
        %dma_start3A_30 = arith.constant 0 : i32
        %dma_start3A_31 = tpu.memref_slice %arg11[%scan3A_9, %dma_start3A_30] : memref<79x128xi32, #tpu.memory_space<vmem>> -> memref<1x128xi32, #tpu.memory_space<vmem>>
        %dma_start3A_32 = tpu.memref_squeeze %dma_start3A_31 : memref<1x128xi32, #tpu.memory_space<vmem>> -> memref<128xi32, #tpu.memory_space<vmem>>
        %dma_start3A_33 = arith.constant 0 : i32
        %dma_start3A_34 = arith.constant 0 : i32
        %dma_start3A_35 = tpu.memref_slice %arg14[%dma_start3A_33, %dma_start3A_34] : memref<10240x128xf32, #tpu.memory_space<vmem_shared>> -> memref<10240x128xf32, #tpu.memory_space<vmem_shared>>
        tpu.enqueue_indirect_dma source(%arg12 : memref<128x128xf32, #tpu.memory_space<vmem>>) target(%dma_start3A_35 : memref<10240x128xf32, #tpu.memory_space<vmem_shared>>) offsets(%dma_start3A_32 : memref<128xi32, #tpu.memory_space<vmem>>) semaphore(%run_scoped3A : memref<!tpu.dma_semaphore, #tpu.memory_space<semaphore_mem>>) {add = true}
        %dma_wait3A_36 = arith.constant 0 : i32
        %dma_wait3A_37 = tpu.memref_slice %arg11[%scan3A_9, %dma_wait3A_36] : memref<79x128xi32, #tpu.memory_space<vmem>> -> memref<1x128xi32, #tpu.memory_space<vmem>>
        %dma_wait3A_38 = tpu.memref_squeeze %dma_wait3A_37 : memref<1x128xi32, #tpu.memory_space<vmem>> -> memref<128xi32, #tpu.memory_space<vmem>>
        %dma_wait3A_39 = arith.constant 0 : i32
        %dma_wait3A_40 = arith.constant 0 : i32
        %dma_wait3A_41 = tpu.memref_slice %arg14[%dma_wait3A_39, %dma_wait3A_40] : memref<10240x128xf32, #tpu.memory_space<vmem_shared>> -> memref<10240x128xf32, #tpu.memory_space<vmem_shared>>
        tpu.wait_indirect_dma semaphore(%run_scoped3A : memref<!tpu.dma_semaphore, #tpu.memory_space<semaphore_mem>>) src(%arg12 : memref<128x128xf32, #tpu.memory_space<vmem>>) dst(%dma_wait3A_41 : memref<10240x128xf32, #tpu.memory_space<vmem_shared>>)
        tpu.yield
      }) : () -> ()
      "tpu.region"() ({
        %run_scoped3A = tpu.sem_alloc : memref<!tpu.dma_semaphore, #tpu.memory_space<semaphore_mem>>
        %dma_start3A_30 = arith.constant 0 : i32
        %dma_start3A_31 = tpu.memref_slice %arg10[%scan3A_9, %dma_start3A_30] : memref<79x128xi32, #tpu.memory_space<vmem>> -> memref<1x128xi32, #tpu.memory_space<vmem>>
        %dma_start3A_32 = tpu.memref_squeeze %dma_start3A_31 : memref<1x128xi32, #tpu.memory_space<vmem>> -> memref<128xi32, #tpu.memory_space<vmem>>
        %dma_start3A_33 = arith.constant 0 : i32
        %dma_start3A_34 = tpu.memref_slice %arg15[%dma_start3A_33] : memref<10240xf32, #tpu.memory_space<vmem_shared>> -> memref<10240xf32, #tpu.memory_space<vmem_shared>>
        tpu.enqueue_indirect_dma source(%arg13 : memref<128xf32, #tpu.memory_space<vmem>>) target(%dma_start3A_34 : memref<10240xf32, #tpu.memory_space<vmem_shared>>) offsets(%dma_start3A_32 : memref<128xi32, #tpu.memory_space<vmem>>) semaphore(%run_scoped3A : memref<!tpu.dma_semaphore, #tpu.memory_space<semaphore_mem>>) {add = true}
        %dma_wait3A_35 = arith.constant 0 : i32
        %dma_wait3A_36 = tpu.memref_slice %arg10[%scan3A_9, %dma_wait3A_35] : memref<79x128xi32, #tpu.memory_space<vmem>> -> memref<1x128xi32, #tpu.memory_space<vmem>>
        %dma_wait3A_37 = tpu.memref_squeeze %dma_wait3A_36 : memref<1x128xi32, #tpu.memory_space<vmem>> -> memref<128xi32, #tpu.memory_space<vmem>>
        %dma_wait3A_38 = arith.constant 0 : i32
        %dma_wait3A_39 = tpu.memref_slice %arg15[%dma_wait3A_38] : memref<10240xf32, #tpu.memory_space<vmem_shared>> -> memref<10240xf32, #tpu.memory_space<vmem_shared>>
        tpu.wait_indirect_dma semaphore(%run_scoped3A : memref<!tpu.dma_semaphore, #tpu.memory_space<semaphore_mem>>) src(%arg13 : memref<128xf32, #tpu.memory_space<vmem>>) dst(%dma_wait3A_39 : memref<10240xf32, #tpu.memory_space<vmem_shared>>)
        tpu.yield
      }) : () -> ()
    }
    %scan3A_7 = arith.constant 79 : i32
    %barrier3A_8 = arith.constant 0 : index
    tpu.barrier barrier_id(%barrier3A_8)
    "tpu.region"() ({
      %run_scoped3A = tpu.sem_alloc : memref<!tpu.dma_semaphore, #tpu.memory_space<semaphore_mem>>
      %dma_start3A = arith.constant 0 : i32
      %dma_start3A_9 = arith.constant 0 : i32
      %dma_start3A_10 = tpu.memref_slice %arg8[%add3A, %dma_start3A, %dma_start3A_9] : memref<32x640x128xf32, #tpu.memory_space<hbm>> -> memref<1x640x128xf32, #tpu.memory_space<hbm>>
      %dma_start3A_11 = tpu.memref_squeeze %dma_start3A_10 : memref<1x640x128xf32, #tpu.memory_space<hbm>> -> memref<640x128xf32, #tpu.memory_space<hbm>>
      %dma_start3A_12 = arith.constant 0 : i32
      %dma_start3A_13 = tpu.memref_slice %arg14[%mul3A_2, %dma_start3A_12] : memref<10240x128xf32, #tpu.memory_space<vmem_shared>> -> memref<640x128xf32, #tpu.memory_space<vmem_shared>>
      tpu.enqueue_dma source(%dma_start3A_13 : memref<640x128xf32, #tpu.memory_space<vmem_shared>>) target(%dma_start3A_11 : memref<640x128xf32, #tpu.memory_space<hbm>>) target_semaphore(%run_scoped3A : memref<!tpu.dma_semaphore, #tpu.memory_space<semaphore_mem>>)
      %dma_wait3A = arith.constant 0 : i32
      %dma_wait3A_14 = arith.constant 0 : i32
      %dma_wait3A_15 = tpu.memref_slice %arg8[%add3A, %dma_wait3A, %dma_wait3A_14] : memref<32x640x128xf32, #tpu.memory_space<hbm>> -> memref<1x640x128xf32, #tpu.memory_space<hbm>>
      %dma_wait3A_16 = tpu.memref_squeeze %dma_wait3A_15 : memref<1x640x128xf32, #tpu.memory_space<hbm>> -> memref<640x128xf32, #tpu.memory_space<hbm>>
      %dma_wait3A_17 = arith.constant 0 : i32
      %dma_wait3A_18 = tpu.memref_slice %arg14[%mul3A_2, %dma_wait3A_17] : memref<10240x128xf32, #tpu.memory_space<vmem_shared>> -> memref<640x128xf32, #tpu.memory_space<vmem_shared>>
      tpu.wait_dma2 semaphore(%run_scoped3A : memref<!tpu.dma_semaphore, #tpu.memory_space<semaphore_mem>>) src(%dma_wait3A_18 : memref<640x128xf32, #tpu.memory_space<vmem_shared>>) dst(%dma_wait3A_16 : memref<640x128xf32, #tpu.memory_space<hbm>>)
      tpu.yield
    }) : () -> ()
    "tpu.region"() ({
      %run_scoped3A = tpu.sem_alloc : memref<!tpu.dma_semaphore, #tpu.memory_space<semaphore_mem>>
      %dma_start3A = arith.constant 0 : i32
      %dma_start3A_9 = tpu.memref_slice %arg9[%add3A, %dma_start3A] : memref<32x640xf32, #tpu.memory_space<hbm>> -> memref<1x640xf32, #tpu.memory_space<hbm>>
      %dma_start3A_10 = tpu.memref_squeeze %dma_start3A_9 : memref<1x640xf32, #tpu.memory_space<hbm>> -> memref<640xf32, #tpu.memory_space<hbm>>
      %dma_start3A_11 = tpu.memref_slice %arg15[%mul3A_2] : memref<10240xf32, #tpu.memory_space<vmem_shared>> -> memref<640xf32, #tpu.memory_space<vmem_shared>>
      tpu.enqueue_dma source(%dma_start3A_11 : memref<640xf32, #tpu.memory_space<vmem_shared>>) target(%dma_start3A_10 : memref<640xf32, #tpu.memory_space<hbm>>) target_semaphore(%run_scoped3A : memref<!tpu.dma_semaphore, #tpu.memory_space<semaphore_mem>>)
      %dma_wait3A = arith.constant 0 : i32
      %dma_wait3A_12 = tpu.memref_slice %arg9[%add3A, %dma_wait3A] : memref<32x640xf32, #tpu.memory_space<hbm>> -> memref<1x640xf32, #tpu.memory_space<hbm>>
      %dma_wait3A_13 = tpu.memref_squeeze %dma_wait3A_12 : memref<1x640xf32, #tpu.memory_space<hbm>> -> memref<640xf32, #tpu.memory_space<hbm>>
      %dma_wait3A_14 = tpu.memref_slice %arg15[%mul3A_2] : memref<10240xf32, #tpu.memory_space<vmem_shared>> -> memref<640xf32, #tpu.memory_space<vmem_shared>>
      tpu.wait_dma2 semaphore(%run_scoped3A : memref<!tpu.dma_semaphore, #tpu.memory_space<semaphore_mem>>) src(%dma_wait3A_14 : memref<640xf32, #tpu.memory_space<vmem_shared>>) dst(%dma_wait3A_13 : memref<640xf32, #tpu.memory_space<hbm>>)
      tpu.yield
    }) : () -> ()
    return
  }
}

module attributes {stable_mosaic.version = 14 : i64} {
  func.func @_prep_body(%arg0: memref<10240x128xf32, #tpu.memory_space<vmem>>, %arg1: memref<2x10240x1xf32, #tpu.memory_space<vmem>>, %arg2: memref<2x10240x1xf32, #tpu.memory_space<vmem>>, %arg3: memref<10240x1xf32, #tpu.memory_space<vmem>>, %arg4: memref<10240x1xf32, #tpu.memory_space<vmem>>, %arg5: memref<10240x128xf32, #tpu.memory_space<vmem>>) attributes {dimension_semantics = [], scalar_prefetch = 0 : i64, scratch_operands = 0 : i64, tpu.core_type = #tpu.core_type<tc>} {
    %get3A = arith.constant 0 : index
    %get3A_0 = arith.constant 0 : index
    %get3A_1 = arith.constant 0 : index
    %get3A_2 = vector.load %arg1[%get3A, %get3A_0, %get3A_1] : memref<2x10240x1xf32, #tpu.memory_space<vmem>>, vector<1x10240x1xf32>
    %get3A_3 = vector.shape_cast %get3A_2 : vector<1x10240x1xf32> to vector<10240x1xf32>
    %get3A_4 = arith.constant 1 : index
    %get3A_5 = arith.constant 0 : index
    %get3A_6 = arith.constant 0 : index
    %get3A_7 = vector.load %arg1[%get3A_4, %get3A_5, %get3A_6] : memref<2x10240x1xf32, #tpu.memory_space<vmem>>, vector<1x10240x1xf32>
    %get3A_8 = vector.shape_cast %get3A_7 : vector<1x10240x1xf32> to vector<10240x1xf32>
    %add3A = arith.addf %get3A_3, %get3A_8 : vector<10240x1xf32>
    %get3A_9 = arith.constant 0 : index
    %get3A_10 = arith.constant 0 : index
    %get3A_11 = arith.constant 0 : index
    %get3A_12 = vector.load %arg2[%get3A_9, %get3A_10, %get3A_11] : memref<2x10240x1xf32, #tpu.memory_space<vmem>>, vector<1x10240x1xf32>
    %get3A_13 = vector.shape_cast %get3A_12 : vector<1x10240x1xf32> to vector<10240x1xf32>
    %get3A_14 = arith.constant 1 : index
    %get3A_15 = arith.constant 0 : index
    %get3A_16 = arith.constant 0 : index
    %get3A_17 = vector.load %arg2[%get3A_14, %get3A_15, %get3A_16] : memref<2x10240x1xf32, #tpu.memory_space<vmem>>, vector<1x10240x1xf32>
    %get3A_18 = vector.shape_cast %get3A_17 : vector<1x10240x1xf32> to vector<10240x1xf32>
    %add3A_19 = arith.addf %get3A_13, %get3A_18 : vector<10240x1xf32>
    %max3A = arith.constant 1.000000e+00 : f32
    %max3A_20 = vector.broadcast %max3A : f32 to vector<10240x1xf32>
    %max3A_21 = arith.maximumf %add3A, %max3A_20 : vector<10240x1xf32>
    %rsqrt3A = math.rsqrt %max3A_21 : vector<10240x1xf32>
    %max3A_22 = arith.constant 1.000000e+00 : f32
    %max3A_23 = vector.broadcast %max3A_22 : f32 to vector<10240x1xf32>
    %max3A_24 = arith.maximumf %add3A_19, %max3A_23 : vector<10240x1xf32>
    %rsqrt3A_25 = math.rsqrt %max3A_24 : vector<10240x1xf32>
    %swap3A = arith.constant 0 : index
    %swap3A_26 = arith.constant 0 : index
    %swap3A_27 = vector.load %arg3[%swap3A, %swap3A_26] : memref<10240x1xf32, #tpu.memory_space<vmem>>, vector<10240x1xf32>
    tpu.vector_store %arg3[%swap3A, %swap3A_26], %rsqrt3A {strides = array<i32>} : memref<10240x1xf32, #tpu.memory_space<vmem>>, vector<10240x1xf32>,
    %swap3A_28 = arith.constant 0 : index
    %swap3A_29 = arith.constant 0 : index
    %swap3A_30 = vector.load %arg4[%swap3A_28, %swap3A_29] : memref<10240x1xf32, #tpu.memory_space<vmem>>, vector<10240x1xf32>
    tpu.vector_store %arg4[%swap3A_28, %swap3A_29], %rsqrt3A_25 {strides = array<i32>} : memref<10240x1xf32, #tpu.memory_space<vmem>>, vector<10240x1xf32>,
    %get3A_31 = arith.constant 0 : index
    %get3A_32 = arith.constant 0 : index
    %get3A_33 = vector.load %arg0[%get3A_31, %get3A_32] : memref<10240x128xf32, #tpu.memory_space<vmem>>, vector<10240x128xf32>
    %mul3A = vector.broadcast %rsqrt3A : vector<10240x1xf32> to vector<10240x128xf32>
    %mul3A_34 = arith.mulf %get3A_33, %mul3A : vector<10240x128xf32>
    %swap3A_35 = arith.constant 0 : index
    %swap3A_36 = arith.constant 0 : index
    %swap3A_37 = vector.load %arg5[%swap3A_35, %swap3A_36] : memref<10240x128xf32, #tpu.memory_space<vmem>>, vector<10240x128xf32>
    tpu.vector_store %arg5[%swap3A_35, %swap3A_36], %mul3A_34 {strides = array<i32>} : memref<10240x128xf32, #tpu.memory_space<vmem>>, vector<10240x128xf32>,
    return
  }
}

module attributes {stable_mosaic.version = 14 : i64} {
  func.func @_final_body(%arg0: memref<2x10240x128xf32, #tpu.memory_space<vmem>>, %arg1: memref<2x10240x1xf32, #tpu.memory_space<vmem>>, %arg2: memref<10240x1xf32, #tpu.memory_space<vmem>>, %arg3: memref<10240x1xf32, #tpu.memory_space<vmem>>, %arg4: memref<128x256xf32, #tpu.memory_space<vmem>>, %arg5: memref<1x256xf32, #tpu.memory_space<vmem>>, %arg6: memref<256x128xf32, #tpu.memory_space<vmem>>, %arg7: memref<1x128xf32, #tpu.memory_space<vmem>>, %arg8: memref<1x128xf32, #tpu.memory_space<vmem>>) attributes {dimension_semantics = [], scalar_prefetch = 0 : i64, scratch_operands = 0 : i64, tpu.core_type = #tpu.core_type<tc>} {
    %get3A = arith.constant 0 : index
    %get3A_0 = arith.constant 0 : index
    %get3A_1 = arith.constant 0 : index
    %get3A_2 = vector.load %arg0[%get3A, %get3A_0, %get3A_1] : memref<2x10240x128xf32, #tpu.memory_space<vmem>>, vector<1x10240x128xf32>
    %get3A_3 = vector.shape_cast %get3A_2 : vector<1x10240x128xf32> to vector<10240x128xf32>
    %get3A_4 = arith.constant 1 : index
    %get3A_5 = arith.constant 0 : index
    %get3A_6 = arith.constant 0 : index
    %get3A_7 = vector.load %arg0[%get3A_4, %get3A_5, %get3A_6] : memref<2x10240x128xf32, #tpu.memory_space<vmem>>, vector<1x10240x128xf32>
    %get3A_8 = vector.shape_cast %get3A_7 : vector<1x10240x128xf32> to vector<10240x128xf32>
    %add3A = arith.addf %get3A_3, %get3A_8 : vector<10240x128xf32>
    %get3A_9 = arith.constant 0 : index
    %get3A_10 = arith.constant 0 : index
    %get3A_11 = vector.load %arg2[%get3A_9, %get3A_10] : memref<10240x1xf32, #tpu.memory_space<vmem>>, vector<10240x1xf32>
    %mul3A = vector.broadcast %get3A_11 : vector<10240x1xf32> to vector<10240x128xf32>
    %mul3A_12 = arith.mulf %add3A, %mul3A : vector<10240x128xf32>
    %get3A_13 = arith.constant 0 : index
    %get3A_14 = arith.constant 0 : index
    %get3A_15 = vector.load %arg4[%get3A_13, %get3A_14] : memref<128x256xf32, #tpu.memory_space<vmem>>, vector<128x256xf32>
    %dot_general3A = arith.constant dense<0.000000e+00> : vector<10240x256xf32>
    %dot_general3A_16 = tpu.matmul %mul3A_12, %get3A_15, %dot_general3A {dimension_numbers = #tpu.dot_dimension_numbers<[1], [0], [0], [1], [0, 0, 1, 1], [], []>, transpose_lhs_hint = false} : vector<10240x128xf32>, vector<128x256xf32>, vector<10240x256xf32> -> vector<10240x256xf32>
    %get3A_17 = arith.constant 0 : index
    %get3A_18 = arith.constant 0 : index
    %get3A_19 = vector.load %arg5[%get3A_17, %get3A_18] : memref<1x256xf32, #tpu.memory_space<vmem>>, vector<1x256xf32>
    %add3A_20 = vector.broadcast %get3A_19 : vector<1x256xf32> to vector<10240x256xf32>
    %add3A_21 = arith.addf %dot_general3A_16, %add3A_20 : vector<10240x256xf32>
    %max3A = arith.constant 0.000000e+00 : f32
    %max3A_22 = vector.broadcast %max3A : f32 to vector<10240x256xf32>
    %max3A_23 = arith.maximumf %add3A_21, %max3A_22 : vector<10240x256xf32>
    %get3A_24 = arith.constant 0 : index
    %get3A_25 = arith.constant 0 : index
    %get3A_26 = vector.load %arg3[%get3A_24, %get3A_25] : memref<10240x1xf32, #tpu.memory_space<vmem>>, vector<10240x1xf32>
    %mul3A_27 = vector.broadcast %get3A_26 : vector<10240x1xf32> to vector<10240x256xf32>
    %mul3A_28 = arith.mulf %max3A_23, %mul3A_27 : vector<10240x256xf32>
    %get3A_29 = arith.constant 0 : index
    %get3A_30 = arith.constant 0 : index
    %get3A_31 = arith.constant 0 : index
    %get3A_32 = vector.load %arg1[%get3A_29, %get3A_30, %get3A_31] : memref<2x10240x1xf32, #tpu.memory_space<vmem>>, vector<1x10240x1xf32>
    %get3A_33 = vector.shape_cast %get3A_32 : vector<1x10240x1xf32> to vector<10240x1xf32>
    %get3A_34 = arith.constant 1 : index
    %get3A_35 = arith.constant 0 : index
    %get3A_36 = arith.constant 0 : index
    %get3A_37 = vector.load %arg1[%get3A_34, %get3A_35, %get3A_36] : memref<2x10240x1xf32, #tpu.memory_space<vmem>>, vector<1x10240x1xf32>
    %get3A_38 = vector.shape_cast %get3A_37 : vector<1x10240x1xf32> to vector<10240x1xf32>
    %add3A_39 = arith.addf %get3A_33, %get3A_38 : vector<10240x1xf32>
    %iota3A = tpu.iota {dimensions = array<i32: 0>} : vector<10240x1xi32>
    %lt3A = arith.constant 10000 : i32
    %lt3A_40 = vector.broadcast %lt3A : i32 to vector<10240x1xi32>
    %lt3A_41 = arith.cmpi slt, %iota3A, %lt3A_40 : vector<10240x1xi32>
    %jit3A = arith.constant 0.000000e+00 : f32
    %broadcast_in_dim3A = vector.broadcast %jit3A : f32 to vector<10240x1xf32>
    %select_n3A = arith.select %lt3A_41, %add3A_39, %broadcast_in_dim3A : vector<10240x1xi1>, vector<10240x1xf32>
    %mul3A_42 = vector.broadcast %select_n3A : vector<10240x1xf32> to vector<10240x256xf32>
    %mul3A_43 = arith.mulf %mul3A_28, %mul3A_42 : vector<10240x256xf32>
    %reduce_sum3A = arith.constant dense<0.000000e+00> : vector<256xf32>
    %reduce_sum3A_44 = vector.multi_reduction <add>, %mul3A_43, %reduce_sum3A [0] : vector<10240x256xf32> to vector<256xf32>
    %broadcast_in_dim3A_45 = vector.shape_cast %reduce_sum3A_44 : vector<256xf32> to vector<1x256xf32>
    %get3A_46 = arith.constant 0 : index
    %get3A_47 = arith.constant 0 : index
    %get3A_48 = vector.load %arg6[%get3A_46, %get3A_47] : memref<256x128xf32, #tpu.memory_space<vmem>>, vector<256x128xf32>
    %dot_general3A_49 = arith.constant dense<0.000000e+00> : vector<1x128xf32>
    %dot_general3A_50 = tpu.matmul %broadcast_in_dim3A_45, %get3A_48, %dot_general3A_49 {dimension_numbers = #tpu.dot_dimension_numbers<[1], [0], [0], [1], [0, 0, 1, 1], [], []>, transpose_lhs_hint = false} : vector<1x256xf32>, vector<256x128xf32>, vector<1x128xf32> -> vector<1x128xf32>
    %mul3A_51 = arith.constant 9.99999974E-5 : f32
    %mul3A_52 = vector.broadcast %mul3A_51 : f32 to vector<1x128xf32>
    %mul3A_53 = arith.mulf %dot_general3A_50, %mul3A_52 : vector<1x128xf32>
    %get3A_54 = arith.constant 0 : index
    %get3A_55 = arith.constant 0 : index
    %get3A_56 = vector.load %arg7[%get3A_54, %get3A_55] : memref<1x128xf32, #tpu.memory_space<vmem>>, vector<1x128xf32>
    %add3A_57 = arith.addf %mul3A_53, %get3A_56 : vector<1x128xf32>
    %swap3A = arith.constant 0 : index
    %swap3A_58 = arith.constant 0 : index
    %swap3A_59 = vector.load %arg8[%swap3A, %swap3A_58] : memref<1x128xf32, #tpu.memory_space<vmem>>, vector<1x128xf32>
    tpu.vector_store %arg8[%swap3A, %swap3A_58], %add3A_57 {strides = array<i32>} : memref<1x128xf32, #tpu.memory_space<vmem>>, vector<1x128xf32>,
    return
  }
}

</mosaic_0001>

<sc_bundles>
// kernel: kernel.6.cloned.1.call-start
scs
__scs_entry_jumppad:
0x0: {  	(pc) =	sbr.rel $0x88, $3  }
0x1: {  	(tag) =	ssettag $0x0;
	lr =	simm.s32 $0x1  }
0x2: {  	[smem:$0x3F9B] =	sst lr;
	_ =	strace $0xD0000000  }
0x3: {  	_ = 	snop  }
0x4: {  	_ = 	snop  }
0x5: {  	_ = 	snop  }
0x6: {  	_ = 	snop  }
0x7: {  	_ = 	snop  }
__scs_overlays_trampoline_lowered:
0x8: {  	[smem:$0x3FAA] =	sst s0  }
0x9: {  	[smem:$0x3FAB] =	sst s1  }
0xa: {  	[smem:$0x3FAC] =	sst s2  }
0xb: {  	[smem:$0x3FAD] =	sst s3  }
0xc: {  	[smem:$0x3FAE] =	sst s4  }
0xd: {  	[smem:$0x3FAF] =	sst s5  }
0xe: {  	[smem:$0x3FB0] =	sst s6  }
0xf: {  	[smem:$0x3FB1] =	sst s7  }
0x10: {  	[smem:$0x3FB2] =	sst s8  }
0x11: {  	[smem:$0x3FB3] =	sst s9;
	s0 =	simm.s32 @!p0 $0x0  }
0x12: {  	s1 =	sld [smem:$0x3F99];
	s0 =	simm.s32 @p0 $0x1  }
0x13: {  	[smem:$0x3FB4] =	sst s0;
	s0 =	simm.s32 @!p1 $0x0  }
0x14: {  	s2 =	sld [smem:$0x3F98];
	s0 =	simm.s32 @p1 $0x1  }
0x15: {  	[smem:$0x3FB5] =	sst s0;
	s0 =	simm.s32 @!p2 $0x0  }
0x16: {  	s3 =	sld [smem:$0x3FDB];
	s0 =	simm.s32 @p2 $0x1  }
0x17: {  	s4 =	simm.s32 $0x1BF5;
	[smem:$0x3FB7] =	sst s0  }
0x18: {  	s0 =	sld [smem:$0x3F9A];
	_ =	swait.ge [sflag:s4], $0x0  }
0x19: {  	s7 =	sld [smem:$0x3F9B]  }
0x1a: {  	s8 =	sadd.s32 $0xFFFFE003, lr  }
0x1b: {  	s9 =	sadd.s32 $0xFFFFFEF7, lr;
	s5 =	simm.s32 $0xFFFFFFFF;
	p2 =	slt.u32 s8, $0xFFFFF086  }
0x1c: {  	p1 =	slt.u32 s9, $0xF7A;
	s5 =	simm.s32 @!p2 $0x0  }
0x1d: {  	s5 =	simm.s32 @p1 $0x1;
	p0 =	seq.s32 s7, s2  }
0x1e: {  	s7 =	smul.u32 @!p0 $0xF7A, s2;
	p2 =	seq.s32 @!p0 s5, $0x0  }
0x1f: {  	s9 =	smul.u32 $0xF7A, s1;
	s8 =	simm.s32 @!p0 $0x1BF5;
	p2 =	por !p2, p0  }
0x20: {  	[sflag:s8] =	ssyncset.s32 @!p0 $0xFFFFF086;
	s6 =	sadd.s32 @!p0 s3, s7;
	s7 =	simm.s32 @!p0 $0x108  }
0x21: {  	s3 =	sadd.s32 s3, s9;
	s6 =	sadd.s32 @!p0 $0x88, s6;
	s7 =	simm.s32 @p2 $0x1082  }
0x22: {  	[simem:s7], [sflag:s8] =	dma.local @!p0 [hbm:s6], $0xF7A  }
0x23: {  	s9 =	sor.u32 $0xD0000000, s2;
	s6 =	simm.s32 $0x108;
	_ =	swait.ge @!p0 [sflag:s8], $0x0  }
0x24: {  	s3 =	sadd.s32 $0x88, s3;
	s6 =	simm.s32 @!p1 $0x1082;
	[sflag:s4] =	ssyncset.s32 $0xFFFFF086  }
0x25: {  	[simem:s6], [sflag:s4] =	dma.local [hbm:s3], $0xF7A  }
0x26: {  	[smem:$0x3F9B] =	sst s1;
	(tag) =	ssettag s2;
	_ =	strace s9  }
0x27: {  	s1 =	sld [smem:$0x3FAB]  }
0x28: {  	s2 =	sld [smem:$0x3FAC]  }
0x29: {  	s4 =	sld [smem:$0x3FAE]  }
0x2a: {  	p0 =	seq.s32 s5, $0x0;
	s5 =	sld [smem:$0x3FAF]  }
0x2b: {  	s6 =	sld [smem:$0x3FB0]  }
0x2c: {  	s7 =	sld [smem:$0x3FB1]  }
0x2d: {  	s3 =	simm.s32 $0x108;
	s8 =	sld [smem:$0x3FB2]  }
0x2e: {  	s3 =	simm.s32 @!p0 $0x1082;
	s9 =	sld [smem:$0x3FB3]  }
0x2f: {  	lr =	sadd.s32 s0, s3;
	s0 =	sld [smem:$0x3FAA]  }
0x30: {  	s3 =	sld [smem:$0x3FAD]  }
0x31: {  	[smem:$0x3FB6] =	sst s10  }
0x32: {  	s10 =	sld [smem:$0x3FB4];
	_ =	sdelay $0x3  }
0x33: {  	p0 =	seq.s32 s10, $0x1;
	s10 =	sld [smem:$0x3FB6];
	_ =	sdelay $0x3  }
0x34: {  	[smem:$0x3FB6] =	sst s10  }
0x35: {  	s10 =	sld [smem:$0x3FB5];
	_ =	sdelay $0x3  }
0x36: {  	p1 =	seq.s32 s10, $0x1;
	s10 =	sld [smem:$0x3FB6];
	_ =	sdelay $0x3  }
0x37: {  	[smem:$0x3FB6] =	sst s10  }
0x38: {  	s10 =	sld [smem:$0x3FB7]  }
0x39: {  	_ = 	snop;
	(pc) =	sbr.ind lr, $3  }
0x3a: {  	_ = 	snop  }
0x3b: {  	_ = 	snop  }
0x3c: {  	p2 =	seq.s32 s10, $0x1;
	s10 =	sld [smem:$0x3FB6]  }
0x3d: {  	_ =	shalt  }
0x3e: {  	_ =	shalt  }
0x3f: {  	_ =	shalt  }
0x40: {  	_ =	shalt  }
0x41: {  	_ =	shalt  }
0x42: {  	_ =	shalt  }
0x43: {  	_ =	shalt  }
0x44: {  	_ =	shalt  }
0x45: {  	_ =	shalt  }
0x46: {  	_ =	shalt  }
0x47: {  	_ =	shalt  }
0x48: {  	_ =	shalt  }
0x49: {  	_ =	shalt  }
0x4a: {  	_ =	shalt  }
0x4b: {  	_ =	shalt  }
0x4c: {  	_ =	shalt  }
0x4d: {  	_ =	shalt  }
0x4e: {  	_ =	shalt  }
0x4f: {  	_ =	shalt  }
0x50: {  	_ =	shalt  }
0x51: {  	_ =	shalt  }
0x52: {  	_ =	shalt  }
0x53: {  	_ =	shalt  }
0x54: {  	_ =	shalt  }
0x55: {  	_ =	shalt  }
0x56: {  	_ =	shalt  }
0x57: {  	_ =	shalt  }
0x58: {  	_ =	shalt  }
0x59: {  	_ =	shalt  }
0x5a: {  	_ =	shalt  }
0x5b: {  	_ =	shalt  }
0x5c: {  	_ =	shalt  }
0x5d: {  	_ =	shalt  }
0x5e: {  	_ =	shalt  }
0x5f: {  	_ =	shalt  }
0x60: {  	_ =	shalt  }
0x61: {  	_ =	shalt  }
0x62: {  	_ =	shalt  }
0x63: {  	_ =	shalt  }
0x64: {  	_ =	shalt  }
0x65: {  	_ =	shalt  }
0x66: {  	_ =	shalt  }
0x67: {  	_ =	shalt  }
0x68: {  	_ =	shalt  }
0x69: {  	_ =	shalt  }
0x6a: {  	_ =	shalt  }
0x6b: {  	_ =	shalt  }
0x6c: {  	_ =	shalt  }
0x6d: {  	_ =	shalt  }
0x6e: {  	_ =	shalt  }
0x6f: {  	_ =	shalt  }
0x70: {  	_ =	shalt  }
0x71: {  	_ =	shalt  }
0x72: {  	_ =	shalt  }
0x73: {  	_ =	shalt  }
0x74: {  	_ =	shalt  }
0x75: {  	_ =	shalt  }
0x76: {  	_ =	shalt  }
0x77: {  	_ =	shalt  }
0x78: {  	_ =	shalt  }
0x79: {  	_ =	shalt  }
0x7a: {  	_ =	shalt  }
0x7b: {  	_ =	shalt  }
0x7c: {  	_ =	shalt  }
0x7d: {  	_ =	shalt  }
0x7e: {  	_ =	shalt  }
0x7f: {  	_ =	shalt  }
0x80: {  	_ =	shalt  }
0x81: {  	_ =	shalt  }
0x82: {  	_ =	shalt  }
0x83: {  	_ =	shalt  }
0x84: {  	_ =	shalt  }
0x85: {  	_ =	shalt  }
0x86: {  	_ =	shalt  }
0x87: {  	_ =	shalt  }
.Lfunc_end0:
.L_simem_size_0:
called_computation_lowered:
.L_overlay_start_0:
0x88: {  	s2 =	sld [smem:$0x3FD9]  }
0x89: {  	s3 =	sld [smem:$0x3FFE];
	_ =	sdelay $0x1  }
0x8a: {  	s1 =	srdreg.scid  }
0x8b: {  	s0 =	sand.u32 $0x1, s1  }
0x8c: {  	s16 =	sshll.u32 s0, $0xA;
	s2 =	sadd.s32 s3, s2  }
0x8d: {  	s2 =	sadd.s32 s2, s16  }
0x8e: {  	[smem:$0x3FC2] =	sst s2  }
0x8f: {  	_ = 	snop  }
0x90: {  	(tm) =	ssettm $0x1  }
0x91: {  	s17 =	sld [smem:$0x3FFB];
	_ =	sdelay $0x3  }
0x92: {  	_ =	strace s17  }
0x93: {  	s2 =	sld [smem:$0x3FFC];
	_ =	sdelay $0x3  }
0x94: {  	_ =	strace s2  }
0x95: {  	s2 =	sld [smem:$0x3FFD];
	_ =	sdelay $0x3  }
0x96: {  	_ =	strace s2  }
0x97: {  	_ =	strace $0x8FFFFFFF  }
0x98: {  	s18 =	sld [smem:$0x3FDB];
	_ =	sdelay $0x1  }
0x99: {  	s19 =	simm.s32 $_scs_section_size  }
0x9a: {  	s4 =	simm.s32 $_size__tile_overlayer_lowered;
	s5 =	simm.s32 $_tile_overlayer_lowered  }
0x9b: {  	s22 =	simm.s32 $0x1BFF;
	s21 =	sshll.u32 s5, $0x1;
	s2 =	sadd.s32 s19, s18  }
0x9c: {  	s6 =	simm.s32 $0x0;
	s20 =	sshll.u32 s4, $0x1;
	s4 =	sadd.s32 s21, s2  }
0x9d: {  	[timem:s6], [sflag:s22] =	dma.local [hbm:s4], s20  }
0x9e: {  	_ =	swait.ge [sflag:s22], s20  }
0x9f: {  	s3 =	ssub.s32 $0x0, s20;
	[sflag:s22] =	ssyncset.done $0x0  }
0xa0: {  	[sflag:s22] =	ssyncadd.s32 s3;
	_ =	sdelay $0x1  }
0xa1: {  	s23 =	simm.s32 $0x1B8B  }
0xa2: {  	_ =	swait.ge [sflag:s23], $0x1  }
0xa3: {  	[sflag:s23] =	ssyncset.done $0x0  }
0xa4: {  	s25 =	simm.s32 $0x1B8E;
	s24 =	sld [smem:$0x3FFE];
	[sflag:s23] =	ssyncadd.s32 $0xFFFFFFFF  }
0xa5: {  	s26 =	simm.s32 $execute0_lowered;
	[smem:$0x3FD2] =	sst s25  }
0xa6: {  	s4 =	sshll.u32 s26, $0x1;
	_ =	strace $0x80000046;
	[dreg:$0x1] =	wrdreg $0xFFFFFFFF  }
0xa7: {  	s28 =	simm.s32 $_size_execute0_lowered;
	s2 =	sadd.s32 s2, s4;
	[dreg:$0x0] =	wrdreg $0x0  }
0xa8: {  	s4 =	sshll.u32 s28, $0x1;
	[dreg:$0x2] =	wrdreg s2  }
0xa9: {  	[dreg:$0x3] =	wrdreg s4  }
0xaa: {  	[dreg:$0x4] =	wrdreg $0xC0  }
0xab: {  	_ =	task [dreg:s6], $0x5FFFF  }
0xac: {  	[dreg:$0x1] =	wrdreg $0xFFFFFFFF  }
0xad: {  	[dreg:$0x0] =	wrdreg $0x60  }
0xae: {  	[dreg:$0x2] =	wrdreg s24  }
0xaf: {  	[dreg:$0x3] =	wrdreg $0x50800  }
0xb0: {  	[dreg:$0x4] =	wrdreg $0x53000  }
0xb1: {  	[dreg:$0x5] =	wrdreg $0x9  }
0xb2: {  	_ =	task.clear_ibuf [dreg:s6], $0x6FFFF;
	_ =	strace $0x90000046  }
0xb3: {  	s29 =	simm.s32 $0x9;
	_ =	strace $0x80000048  }
0xb4: {  	_ =	swait.ge [sflag:s29], $0x1  }
0xb5: {  	[sflag:s29] =	ssyncadd.s32 $0xFFFFFFFF  }
0xb6: {  	_ =	strace $0x90000048  }
0xb7: {  	_ =	sfence  }
0xb8: {  	s30 =	sld [smem:$0x0];
	_ =	sdelay $0x2  }
0xb9: {  	s31 =	sshll.u32 s1, $0xD;
	s1 =	sshrl.u32 s1, $0x2  }
0xba: {  	s3 =	sand.u32 $0x4000, s31;
	s1 =	sadd.s32 s1, s30  }
0xbb: {  	s0 =	sor.u32 s3, s0;
	s1 =	sshll.u32 s1, $0x11  }
0xbc: {  	s0 =	sor.u32 s1, s0  }
0xbd: {  	s0 =	sadd.s32 $0x8F2B, s0  }
0xbe: {  	[sflag:s0] =	ssyncadd.remote.s32 $0x1  }
0xbf: {  	_ =	sfence.sel $0xFFFF  }
0xc0: {  	[dreg:$0x0] =	wrdreg $0xFFFFFFFF;
	(pc) =	sbr.abs _section_cstart, $3  }
0xc1: {  	[dreg:$0x1] =	wrdreg $0xFFFFFFFF  }
0xc2: {  	_ =	task.clear_ibuf [dreg:s6], $0x2FFFF;
	_ =	strace $0x9FFFFFFF  }
0xc3: {  	(tm) =	ssettm $0x7FFFFFFF  }
tec
execute0_lowered:
.L_overlay_start_1:
0x0: {  	(tag) =	ssettag $0x1  }
0x1: {  	s5 =	rddreg [dreg:$0x0]  }
0x2: {  	s0 =	srdreg.scid;
	s2 =	rddreg [dreg:$0x1]  }
0x3: {  	s3 =	rddreg [dreg:$0x2];
	s1 =	stileid.u32;
	s15 =	simm.s32 $0x2800  }
0x4: {  	s16 =	simm.s32 $0x80;
	s17 =	simm.s32 $0x5000;
	s18 =	simm.s32 $0x10  }
0x5: {  	s19 =	simm.s32 $0x0;
	s6 =	sand.u32 $0x1, s0;
	s0 =	rddreg [dreg:$0x3]  }
0x6: {  	s9 =	sshll.u32 s1, $0x7;
	s10 =	smul.u32 $0x280, s1;
	s31 =	sshll.u32 s1, $0x6  }
0x7: {  	s4 =	sshll.u32 s6, $0x4;
	s9 =	sand.u32 $0x380, s9;
	s6 =	ssub.s32 $0x2, s6  }
0x8: {  	s7 =	sor.u32 s1, s4;
	s4 =	simm.s32 $0x0;
	s30 =	sshrl.u32 s10, $0x3  }
0x9: {  	s11 =	sshrl.u32 s6, $0x1;
	s8 =	smul.u32 $0x500, s7;
	s7 =	sshrl.u32 s7, $0x3  }
0xa: {  	s13 =	sadd.s32 s10, s2;
	s14 =	sadd.s32 s10, s3;
	s7 =	smul.u32 $0x1400, s7  }
0xb: {  	[smem:$0x7FF] =	sst s4;
	s11 =	ssub.s32 s6, s11;
	s6 =	sor.u32 $0x1C01, s31  }
0xc: {  	s14 =	sshrl.u32 s14, $0x3;
	_ =	strace $0x80000047;
	s7 =	sor.u32 s9, s7  }
0xd: {  	s11 =	smax.u32 s11, $0x1;
	s9 =	sadd.s32 s30, s5;
	s7 =	sshrl.u32 s7, $0x3  }
0xe: {  	s8 =	sadd.s32 s8, s5;
	s12 =	sadd.s32 s7, s5;
	s5 =	sadd.s32 $0x15A00, s9  }
0xf: {  	s7 =	sadd.s32 $0xBA00, s8;
	s8 =	sadd.s32 $0x1A00, s8;
	s9 =	sadd.s32 $0x16000, s12  }
0x10: {  	v0 =	vimm.f32 $1.000000000e+00;
	s10 =	sadd.s32 $0x16A00, s12;
	s12 =	sshrl.u32 s13, $0x3;
	s13 =	simm.s32 $0x1  }
.LBB2_1:
0x11: {  	[spmem:s12], [sflag:s6] =	dma.local [hbm:s5], $0x50  }
0x12: {  	_ =	swait.ge [sflag:s13], $0x50  }
0x13: {  	[sflag:s13] =	ssyncset.done $0x0  }
0x14: {  	[sflag:s13] =	ssyncadd.s32 $0xFFFFFFB0  }
0x15: {  	[spmem:s14], [sflag:s6] =	dma.local [hbm:s5], $0x50  }
0x16: {  	_ =	swait.ge [sflag:s13], $0x50  }
0x17: {  	[sflag:s13] =	ssyncset.done $0x0  }
0x18: {  	[sflag:s13] =	ssyncadd.s32 $0xFFFFFFB0  }
0x19: {  	[tilespmem:s4], [sflag:$0x1] =	stream.linear.gather [hbm4b:s7+s4], $0x2780, $0x38;
	[tilespmem:$0x5580] =	vst v63  }
0x1a: {  	_ =	swait.ge [sflag:s13], $0x2780  }
0x1b: {  	[sflag:s13] =	ssyncset.done $0x0  }
0x1c: {  	[sflag:s13] =	ssyncadd.s32 $0xFFFFD880  }
0x1d: {  	[tilespmem:s15], [sflag:$0x1] =	stream.linear.gather [hbm4b:s8+s4], $0x2780, $0x38;
	[tilespmem:$0x5580] =	vst v63  }
0x1e: {  	_ =	swait.ge [sflag:s13], $0x2780  }
0x1f: {  	[sflag:s13] =	ssyncset.done $0x0  }
0x20: {  	[sflag:s13] =	ssyncadd.s32 $0xFFFFD880  }
0x21: {  	[tilespmem:$0x5000] =	vst v0  }
0x22: {  	[tilespmem:$0x5010] =	vst v0  }
0x23: {  	[tilespmem:$0x5020] =	vst v0  }
0x24: {  	[tilespmem:$0x5030] =	vst v0  }
0x25: {  	[tilespmem:$0x5040] =	vst v0  }
0x26: {  	[tilespmem:$0x5050] =	vst v0  }
0x27: {  	[tilespmem:$0x5060] =	vst v0  }
0x28: {  	[tilespmem:$0x5070] =	vst v0  }
0x29: {  	s20 =	simm.s32 $0x0;
	[bflag:$0x0] =	sbarrier.arrive $0xFFFF  }
0x2a: {  	[spmem:s2] =	stream.indirect.scatter.add.f32 [tilespmem:s17], [sflag:$0x1], $0x1, s20, s16, $0xb8;
	[tilespmem:$0x5580] =	vst v63  }
0x2b: {  	_ =	swait.ge [sflag:s13], $0x80  }
0x2c: {  	[sflag:s13] =	ssyncset.done $0x0  }
0x2d: {  	s31 =	simm.s32 $0x2800;
	[sflag:s13] =	ssyncadd.s32 $0xFFFFFF80  }
0x2e: {  	[spmem:s3] =	stream.indirect.scatter.add.f32 [tilespmem:s17], [sflag:$0x1], $0x1, s31, s16, $0xb8;
	[tilespmem:$0x5580] =	vst v63  }
0x2f: {  	_ =	swait.ge [sflag:s13], $0x80  }
0x30: {  	s21 =	simm.s32 $0x400;
	s20 =	simm.s32 $0x200;
	[sflag:s13] =	ssyncset.done $0x0  }
.LBB2_2:
0x31: {  	s22 =	sshra.s32 s20, $0x2  }
0x32: {  	[sflag:s13] =	ssyncadd.s32 $0xFFFFFF80;
	s20 =	smov.u32 s21;
	s23 =	sadd.s32 $0x200, s21  }
0x33: {  	[spmem:s2] =	stream.indirect.scatter.add.f32 [tilespmem:s17], [sflag:$0x1], $0x1, s22, s16, $0xb8;
	[tilespmem:$0x5580] =	vst v63  }
0x34: {  	p0 =	sne.s32 s21, $0x9C00;
	_ =	swait.ge [sflag:s13], $0x80  }
.Ltmp0:
0x35: {  	[sflag:s13] =	ssyncset.done $0x0;
	(pc) =	sbr.rel @p0 .LBB2_2-.Ltmp0, $4  }
0x36: {  	s21 =	sadd.s32 $0x2800, s22;
	[sflag:s13] =	ssyncadd.s32 $0xFFFFFF80  }
0x37: {  	[spmem:s3] =	stream.indirect.scatter.add.f32 [tilespmem:s17], [sflag:$0x1], $0x1, s21, s16, $0xb8;
	[tilespmem:$0x5580] =	vst v63  }
0x38: {  	_ =	swait.ge [sflag:s13], $0x80  }
0x39: {  	s21 =	smov.u32 s23;
	[sflag:s13] =	ssyncset.done $0x0  }
0x3a: {  	s20 =	sshra.s32 s20, $0x2;
	[sflag:s13] =	ssyncadd.s32 $0xFFFFFF80  }
0x3b: {  	[spmem:s2] =	stream.indirect.scatter.add.f32 [tilespmem:s17], [sflag:$0x1], $0x1, s20, s16, $0xb8;
	[tilespmem:$0x5580] =	vst v63  }
0x3c: {  	_ =	swait.ge [sflag:s13], $0x80  }
0x3d: {  	[sflag:s13] =	ssyncset.done $0x0  }
0x3e: {  	s20 =	sadd.s32 $0x2800, s20;
	[sflag:s13] =	ssyncadd.s32 $0xFFFFFF80  }
0x3f: {  	[spmem:s3] =	stream.indirect.scatter.add.f32 [tilespmem:s17], [sflag:$0x1], $0x1, s20, s16, $0xb8;
	[tilespmem:$0x5580] =	vst v63  }
0x40: {  	_ =	swait.ge [sflag:s13], $0x80  }
0x41: {  	[sflag:s13] =	ssyncset.done $0x0  }
0x42: {  	[sflag:s13] =	ssyncadd.s32 $0xFFFFFF80  }
0x43: {  	[bflag:$0x0] =	sbarrier.arrive $0xFFFF  }
0x44: {  	[hbm:s9@s16], [sflag:s6] =	dma.strided [spmem:s12@s18], $0x50, s13, $0x10   }
0x45: {  	s19 =	sadd.s32 $0x1, s19;
	_ =	swait.ge [sflag:s13], $0x50  }
0x46: {  	p0 =	sne.s32 s19, s11;
	[sflag:s13] =	ssyncset.done $0x0  }
.Ltmp1:
0x47: {  	[sflag:s13] =	ssyncadd.s32 $0xFFFFFFB0;
	(pc) =	sbr.rel @p0 .LBB2_1-.Ltmp1, $4  }
0x48: {  	[hbm:s10@s16], [sflag:s6] =	dma.strided [spmem:s14@s18], $0x50, s13, $0x10   }
0x49: {  	_ =	swait.ge [sflag:s13], $0x50  }
0x4a: {  	[sflag:s13] =	ssyncset.done $0x0  }
0x4b: {  	[sflag:s13] =	ssyncadd.s32 $0xFFFFFFB0  }
0x4c: {  	_ =	sfence.sel $0x180000  }
0x4d: {  	[bflag:$0x0] =	sbarrier.arrive $0xFFFF  }
0x4e: {  	p0 =	sne.s32 s1, $0x0;
	_ =	strace $0x90000047  }
0x4f: {  	s0 =	sadd.s32 @!p0 $0x100000, s0;
	[bflag:$0x2] =	sbarrier.arrive $0xFFFF  }
0x50: {  	[sflag:s0] =	ssyncadd.tile.s32 @!p0 $0x1;
	_ =	shalt  }
.Lfunc_end2:
_tile_overlayer_lowered:
.L_overlay_start_2:
0x51: {  	(tag) =	ssettag $0x2  }
0x52: {  	s0 =	rddreg [dreg:$0x0];
	s2 =	stileid.u32  }
0x53: {  	s1 =	rddreg [dreg:$0x1];
	p0 =	sne.s32 s2, $0x0  }
0x54: {  	s3 =	rddreg [dreg:$0x2];
	[bflag:$0x3] =	sbarrier.arrive $0xFFFF;
	s2 =	simm.s32 @!p0 $0x1C01  }
0x55: {  	[timem:s3], [sflag:s2] =	dma.local @!p0 [hbm:s0], s1  }
0x56: {  	s0 =	simm.s32 @!p0 $0x1  }
0x57: {  	_ =	swait.ge @!p0 [sflag:s0], s1  }
0x58: {  	s1 =	ssub.s32 @!p0 $0x0, s1;
	[sflag:s0] =	ssyncset.done @!p0 $0x0  }
0x59: {  	[sflag:s0] =	ssyncadd.s32 @!p0 s1  }
0x5a: {  	[bflag:$0x3] =	sbarrier.arrive $0xFFFF  }
0x5b: {  	_ =	shalt  }

// kernel: kernel.9.cloned.1.call-start
scs
__scs_entry_jumppad:
0x0: {  	(pc) =	sbr.rel $0x88, $3  }
0x1: {  	(tag) =	ssettag $0x0;
	lr =	simm.s32 $0x1  }
0x2: {  	[smem:$0x3F9B] =	sst lr;
	_ =	strace $0xD0000000  }
0x3: {  	_ = 	snop  }
0x4: {  	_ = 	snop  }
0x5: {  	_ = 	snop  }
0x6: {  	_ = 	snop  }
0x7: {  	_ = 	snop  }
__scs_overlays_trampoline_lowered:
0x8: {  	[smem:$0x3FAA] =	sst s0  }
0x9: {  	[smem:$0x3FAB] =	sst s1  }
0xa: {  	[smem:$0x3FAC] =	sst s2  }
0xb: {  	[smem:$0x3FAD] =	sst s3  }
0xc: {  	[smem:$0x3FAE] =	sst s4  }
0xd: {  	[smem:$0x3FAF] =	sst s5  }
0xe: {  	[smem:$0x3FB0] =	sst s6  }
0xf: {  	[smem:$0x3FB1] =	sst s7  }
0x10: {  	[smem:$0x3FB2] =	sst s8  }
0x11: {  	[smem:$0x3FB3] =	sst s9;
	s0 =	simm.s32 @!p0 $0x0  }
0x12: {  	s1 =	sld [smem:$0x3F99];
	s0 =	simm.s32 @p0 $0x1  }
0x13: {  	[smem:$0x3FB4] =	sst s0;
	s0 =	simm.s32 @!p1 $0x0  }
0x14: {  	s2 =	sld [smem:$0x3F98];
	s0 =	simm.s32 @p1 $0x1  }
0x15: {  	[smem:$0x3FB5] =	sst s0;
	s0 =	simm.s32 @!p2 $0x0  }
0x16: {  	s3 =	sld [smem:$0x3FDB];
	s0 =	simm.s32 @p2 $0x1  }
0x17: {  	s4 =	simm.s32 $0x1BF5;
	[smem:$0x3FB7] =	sst s0  }
0x18: {  	s0 =	sld [smem:$0x3F9A];
	_ =	swait.ge [sflag:s4], $0x0  }
0x19: {  	s7 =	sld [smem:$0x3F9B]  }
0x1a: {  	s8 =	sadd.s32 $0xFFFFE003, lr  }
0x1b: {  	s9 =	sadd.s32 $0xFFFFFEF7, lr;
	s5 =	simm.s32 $0xFFFFFFFF;
	p2 =	slt.u32 s8, $0xFFFFF086  }
0x1c: {  	p1 =	slt.u32 s9, $0xF7A;
	s5 =	simm.s32 @!p2 $0x0  }
0x1d: {  	s5 =	simm.s32 @p1 $0x1;
	p0 =	seq.s32 s7, s2  }
0x1e: {  	s7 =	smul.u32 @!p0 $0xF7A, s2;
	p2 =	seq.s32 @!p0 s5, $0x0  }
0x1f: {  	s9 =	smul.u32 $0xF7A, s1;
	s8 =	simm.s32 @!p0 $0x1BF5;
	p2 =	por !p2, p0  }
0x20: {  	[sflag:s8] =	ssyncset.s32 @!p0 $0xFFFFF086;
	s6 =	sadd.s32 @!p0 s3, s7;
	s7 =	simm.s32 @!p0 $0x108  }
0x21: {  	s3 =	sadd.s32 s3, s9;
	s6 =	sadd.s32 @!p0 $0x88, s6;
	s7 =	simm.s32 @p2 $0x1082  }
0x22: {  	[simem:s7], [sflag:s8] =	dma.local @!p0 [hbm:s6], $0xF7A  }
0x23: {  	s9 =	sor.u32 $0xD0000000, s2;
	s6 =	simm.s32 $0x108;
	_ =	swait.ge @!p0 [sflag:s8], $0x0  }
0x24: {  	s3 =	sadd.s32 $0x88, s3;
	s6 =	simm.s32 @!p1 $0x1082;
	[sflag:s4] =	ssyncset.s32 $0xFFFFF086  }
0x25: {  	[simem:s6], [sflag:s4] =	dma.local [hbm:s3], $0xF7A  }
0x26: {  	[smem:$0x3F9B] =	sst s1;
	(tag) =	ssettag s2;
	_ =	strace s9  }
0x27: {  	s1 =	sld [smem:$0x3FAB]  }
0x28: {  	s2 =	sld [smem:$0x3FAC]  }
0x29: {  	s4 =	sld [smem:$0x3FAE]  }
0x2a: {  	p0 =	seq.s32 s5, $0x0;
	s5 =	sld [smem:$0x3FAF]  }
0x2b: {  	s6 =	sld [smem:$0x3FB0]  }
0x2c: {  	s7 =	sld [smem:$0x3FB1]  }
0x2d: {  	s3 =	simm.s32 $0x108;
	s8 =	sld [smem:$0x3FB2]  }
0x2e: {  	s3 =	simm.s32 @!p0 $0x1082;
	s9 =	sld [smem:$0x3FB3]  }
0x2f: {  	lr =	sadd.s32 s0, s3;
	s0 =	sld [smem:$0x3FAA]  }
0x30: {  	s3 =	sld [smem:$0x3FAD]  }
0x31: {  	[smem:$0x3FB6] =	sst s10  }
0x32: {  	s10 =	sld [smem:$0x3FB4];
	_ =	sdelay $0x3  }
0x33: {  	p0 =	seq.s32 s10, $0x1;
	s10 =	sld [smem:$0x3FB6];
	_ =	sdelay $0x3  }
0x34: {  	[smem:$0x3FB6] =	sst s10  }
0x35: {  	s10 =	sld [smem:$0x3FB5];
	_ =	sdelay $0x3  }
0x36: {  	p1 =	seq.s32 s10, $0x1;
	s10 =	sld [smem:$0x3FB6];
	_ =	sdelay $0x3  }
0x37: {  	[smem:$0x3FB6] =	sst s10  }
0x38: {  	s10 =	sld [smem:$0x3FB7]  }
0x39: {  	_ = 	snop;
	(pc) =	sbr.ind lr, $3  }
0x3a: {  	_ = 	snop  }
0x3b: {  	_ = 	snop  }
0x3c: {  	p2 =	seq.s32 s10, $0x1;
	s10 =	sld [smem:$0x3FB6]  }
0x3d: {  	_ =	shalt  }
0x3e: {  	_ =	shalt  }
0x3f: {  	_ =	shalt  }
0x40: {  	_ =	shalt  }
0x41: {  	_ =	shalt  }
0x42: {  	_ =	shalt  }
0x43: {  	_ =	shalt  }
0x44: {  	_ =	shalt  }
0x45: {  	_ =	shalt  }
0x46: {  	_ =	shalt  }
0x47: {  	_ =	shalt  }
0x48: {  	_ =	shalt  }
0x49: {  	_ =	shalt  }
0x4a: {  	_ =	shalt  }
0x4b: {  	_ =	shalt  }
0x4c: {  	_ =	shalt  }
0x4d: {  	_ =	shalt  }
0x4e: {  	_ =	shalt  }
0x4f: {  	_ =	shalt  }
0x50: {  	_ =	shalt  }
0x51: {  	_ =	shalt  }
0x52: {  	_ =	shalt  }
0x53: {  	_ =	shalt  }
0x54: {  	_ =	shalt  }
0x55: {  	_ =	shalt  }
0x56: {  	_ =	shalt  }
0x57: {  	_ =	shalt  }
0x58: {  	_ =	shalt  }
0x59: {  	_ =	shalt  }
0x5a: {  	_ =	shalt  }
0x5b: {  	_ =	shalt  }
0x5c: {  	_ =	shalt  }
0x5d: {  	_ =	shalt  }
0x5e: {  	_ =	shalt  }
0x5f: {  	_ =	shalt  }
0x60: {  	_ =	shalt  }
0x61: {  	_ =	shalt  }
0x62: {  	_ =	shalt  }
0x63: {  	_ =	shalt  }
0x64: {  	_ =	shalt  }
0x65: {  	_ =	shalt  }
0x66: {  	_ =	shalt  }
0x67: {  	_ =	shalt  }
0x68: {  	_ =	shalt  }
0x69: {  	_ =	shalt  }
0x6a: {  	_ =	shalt  }
0x6b: {  	_ =	shalt  }
0x6c: {  	_ =	shalt  }
0x6d: {  	_ =	shalt  }
0x6e: {  	_ =	shalt  }
0x6f: {  	_ =	shalt  }
0x70: {  	_ =	shalt  }
0x71: {  	_ =	shalt  }
0x72: {  	_ =	shalt  }
0x73: {  	_ =	shalt  }
0x74: {  	_ =	shalt  }
0x75: {  	_ =	shalt  }
0x76: {  	_ =	shalt  }
0x77: {  	_ =	shalt  }
0x78: {  	_ =	shalt  }
0x79: {  	_ =	shalt  }
0x7a: {  	_ =	shalt  }
0x7b: {  	_ =	shalt  }
0x7c: {  	_ =	shalt  }
0x7d: {  	_ =	shalt  }
0x7e: {  	_ =	shalt  }
0x7f: {  	_ =	shalt  }
0x80: {  	_ =	shalt  }
0x81: {  	_ =	shalt  }
0x82: {  	_ =	shalt  }
0x83: {  	_ =	shalt  }
0x84: {  	_ =	shalt  }
0x85: {  	_ =	shalt  }
0x86: {  	_ =	shalt  }
0x87: {  	_ =	shalt  }
.Lfunc_end0:
.L_simem_size_0:
called_computation.1_lowered:
.L_overlay_start_0:
0x88: {  	s2 =	sld [smem:$0x3FD9]  }
0x89: {  	s3 =	sld [smem:$0x3FFE];
	_ =	sdelay $0x1  }
0x8a: {  	s1 =	srdreg.scid  }
0x8b: {  	s0 =	sand.u32 $0x1, s1  }
0x8c: {  	s16 =	sshll.u32 s0, $0xA;
	s2 =	sadd.s32 s3, s2  }
0x8d: {  	s2 =	sadd.s32 s2, s16  }
0x8e: {  	[smem:$0x3FC2] =	sst s2  }
0x8f: {  	_ = 	snop  }
0x90: {  	(tm) =	ssettm $0x1  }
0x91: {  	s17 =	sld [smem:$0x3FFB];
	_ =	sdelay $0x3  }
0x92: {  	_ =	strace s17  }
0x93: {  	s2 =	sld [smem:$0x3FFC];
	_ =	sdelay $0x3  }
0x94: {  	_ =	strace s2  }
0x95: {  	s2 =	sld [smem:$0x3FFD];
	_ =	sdelay $0x3  }
0x96: {  	_ =	strace s2  }
0x97: {  	_ =	strace $0x8FFFFFFF  }
0x98: {  	s18 =	sld [smem:$0x3FDB];
	_ =	sdelay $0x1  }
0x99: {  	s19 =	simm.s32 $_scs_section_size  }
0x9a: {  	s4 =	simm.s32 $_size__tile_overlayer_lowered;
	s5 =	simm.s32 $_tile_overlayer_lowered  }
0x9b: {  	s22 =	simm.s32 $0x1BFF;
	s21 =	sshll.u32 s5, $0x1;
	s2 =	sadd.s32 s19, s18  }
0x9c: {  	s6 =	simm.s32 $0x0;
	s20 =	sshll.u32 s4, $0x1;
	s4 =	sadd.s32 s21, s2  }
0x9d: {  	[timem:s6], [sflag:s22] =	dma.local [hbm:s4], s20  }
0x9e: {  	_ =	swait.ge [sflag:s22], s20  }
0x9f: {  	s3 =	ssub.s32 $0x0, s20;
	[sflag:s22] =	ssyncset.done $0x0  }
0xa0: {  	[sflag:s22] =	ssyncadd.s32 s3;
	_ =	sdelay $0x1  }
0xa1: {  	s23 =	simm.s32 $0x1B8B  }
0xa2: {  	_ =	swait.ge [sflag:s23], $0x1  }
0xa3: {  	[sflag:s23] =	ssyncset.done $0x0  }
0xa4: {  	s25 =	simm.s32 $0x1B8E;
	s24 =	sld [smem:$0x3FFE];
	[sflag:s23] =	ssyncadd.s32 $0xFFFFFFFF  }
0xa5: {  	s26 =	simm.s32 $execute0_lowered;
	[smem:$0x3FD2] =	sst s25  }
0xa6: {  	s4 =	sshll.u32 s26, $0x1;
	_ =	strace $0x80000049;
	[dreg:$0x1] =	wrdreg $0xFFFFFFFF  }
0xa7: {  	s28 =	simm.s32 $_size_execute0_lowered;
	s2 =	sadd.s32 s2, s4;
	[dreg:$0x0] =	wrdreg $0x0  }
0xa8: {  	s4 =	sshll.u32 s28, $0x1;
	[dreg:$0x2] =	wrdreg s2  }
0xa9: {  	[dreg:$0x3] =	wrdreg s4  }
0xaa: {  	[dreg:$0x4] =	wrdreg $0xC0  }
0xab: {  	_ =	task [dreg:s6], $0x5FFFF  }
0xac: {  	[dreg:$0x1] =	wrdreg $0xFFFFFFFF  }
0xad: {  	[dreg:$0x0] =	wrdreg $0x60  }
0xae: {  	[dreg:$0x2] =	wrdreg s24  }
0xaf: {  	[dreg:$0x3] =	wrdreg $0x90800  }
0xb0: {  	[dreg:$0x4] =	wrdreg $0x1D0800  }
0xb1: {  	[dreg:$0x5] =	wrdreg $0x9  }
0xb2: {  	_ =	task.clear_ibuf [dreg:s6], $0x6FFFF;
	_ =	strace $0x90000049  }
0xb3: {  	s29 =	simm.s32 $0x9;
	_ =	strace $0x8000004B  }
0xb4: {  	_ =	swait.ge [sflag:s29], $0x1  }
0xb5: {  	[sflag:s29] =	ssyncadd.s32 $0xFFFFFFFF  }
0xb6: {  	_ =	strace $0x9000004B  }
0xb7: {  	_ =	sfence  }
0xb8: {  	s30 =	sld [smem:$0x0];
	_ =	sdelay $0x2  }
0xb9: {  	s31 =	sshll.u32 s1, $0xD;
	s1 =	sshrl.u32 s1, $0x2  }
0xba: {  	s3 =	sand.u32 $0x4000, s31;
	s1 =	sadd.s32 s1, s30  }
0xbb: {  	s0 =	sor.u32 s3, s0;
	s1 =	sshll.u32 s1, $0x11  }
0xbc: {  	s0 =	sor.u32 s1, s0  }
0xbd: {  	s0 =	sadd.s32 $0x8F2B, s0  }
0xbe: {  	[sflag:s0] =	ssyncadd.remote.s32 $0x1  }
0xbf: {  	_ =	sfence.sel $0xFFFF  }
0xc0: {  	[dreg:$0x0] =	wrdreg $0xFFFFFFFF;
	(pc) =	sbr.abs _section_cstart, $3  }
0xc1: {  	[dreg:$0x1] =	wrdreg $0xFFFFFFFF  }
0xc2: {  	_ =	task.clear_ibuf [dreg:s6], $0x2FFFF;
	_ =	strace $0x9FFFFFFF  }
0xc3: {  	(tm) =	ssettm $0x7FFFFFFF  }
tec
execute0_lowered:
.L_overlay_start_1:
0x0: {  	(tag) =	ssettag $0x1  }
0x1: {  	s7 =	rddreg [dreg:$0x0]  }
0x2: {  	s0 =	srdreg.scid;
	s2 =	rddreg [dreg:$0x1]  }
0x3: {  	s3 =	rddreg [dreg:$0x2];
	s1 =	stileid.u32;
	s4 =	simm.s32 $0x0  }
0x4: {  	s21 =	simm.s32 $0x9000;
	s22 =	simm.s32 $0x1;
	s23 =	simm.s32 $0x2  }
0x5: {  	s8 =	sand.u32 $0x1, s0;
	s0 =	rddreg [dreg:$0x3];
	s11 =	smul.u32 $0x2800, s1  }
0x6: {  	s24 =	simm.s32 $0x10;
	[smem:$0x7FF] =	sst s4;
	s12 =	smul.u32 $0x280, s1  }
0x7: {  	s6 =	sadd.s32 $0x3E000, s7;
	s26 =	sshll.u32 s1, $0x7;
	s28 =	smul.u32 $0x50000, s1  }
0x8: {  	s31 =	sshll.u32 s1, $0x6;
	s5 =	sshll.u32 s8, $0x4;
	_ =	strace $0x8000004A  }
0x9: {  	s8 =	ssub.s32 $0x2, s8;
	s9 =	sor.u32 s1, s5;
	s5 =	sadd.s32 $0x16000, s7  }
0xa: {  	s11 =	sadd.s32 s11, s7;
	s15 =	sshrl.u32 s12, $0x3;
	s29 =	sshrl.u32 s8, $0x1  }
0xb: {  	s30 =	sshrl.u32 s28, $0x2;
	s20 =	sadd.s32 s12, s3;
	s10 =	smul.u32 $0x500, s9  }
0xc: {  	s13 =	sshrl.u32 s9, $0x3;
	s15 =	sadd.s32 s15, s7;
	s9 =	smul.u32 $0x2800, s9  }
0xd: {  	s18 =	ssub.s32 s8, s29;
	s19 =	sadd.s32 s30, s2;
	s8 =	sor.u32 $0x1C03, s31  }
0xe: {  	s25 =	smul.u32 $0x1400, s13;
	s13 =	sand.u32 $0x380, s26;
	s14 =	sadd.s32 s10, s7  }
0xf: {  	s16 =	sadd.s32 s9, s7;
	s9 =	sadd.s32 $0x15A00, s15;
	s15 =	sshrl.u32 s19, $0x3  }
0x10: {  	s19 =	simm.s32 $0x80;
	s10 =	sor.u32 s13, s25;
	s12 =	sadd.s32 $0x67000, s16  }
0x11: {  	s16 =	simm.s32 $0x3;
	s25 =	simm.s32 $0x0;
	s10 =	sshrl.u32 s10, $0x3  }
0x12: {  	s17 =	sadd.s32 s10, s7;
	s7 =	sadd.s32 $0x3E600, s11;
	s10 =	sadd.s32 $0xBA00, s14  }
0x13: {  	s11 =	sadd.s32 $0x1A00, s14;
	s14 =	smax.u32 s18, $0x1;
	s18 =	simm.s32 $0x2800  }
0x14: {  	s13 =	sadd.s32 $0x66600, s17;
	s17 =	sshrl.u32 s20, $0x3;
	s20 =	simm.s32 $0x5000  }
.LBB2_1:
0x15: {  	[spmem:s15], [sflag:s8] =	dma.local [hbm:s7], $0x2800  }
0x16: {  	_ =	swait.ge [sflag:s16], $0x2800  }
0x17: {  	[sflag:s16] =	ssyncset.done $0x0  }
0x18: {  	[sflag:s16] =	ssyncadd.s32 $0xFFFFD800  }
0x19: {  	[spmem:s17], [sflag:s8] =	dma.local [hbm:s9], $0x50  }
0x1a: {  	_ =	swait.ge [sflag:s16], $0x50  }
0x1b: {  	[sflag:s16] =	ssyncset.done $0x0  }
0x1c: {  	[sflag:s16] =	ssyncadd.s32 $0xFFFFFFB0  }
0x1d: {  	[tilespmem:s4], [sflag:$0x3] =	stream.linear.gather [hbm4b:s10+s4], $0x2780, $0x38;
	[tilespmem:$0x1D300] =	vst v63  }
0x1e: {  	_ =	swait.ge [sflag:s16], $0x2780  }
0x1f: {  	[sflag:s16] =	ssyncset.done $0x0  }
0x20: {  	[sflag:s16] =	ssyncadd.s32 $0xFFFFD880  }
0x21: {  	[tilespmem:s18], [sflag:$0x3] =	stream.linear.gather [hbm4b:s11+s4], $0x2780, $0x38;
	[tilespmem:$0x1D300] =	vst v63  }
0x22: {  	_ =	swait.ge [sflag:s16], $0x2780  }
0x23: {  	[sflag:s16] =	ssyncset.done $0x0  }
0x24: {  	[sflag:s16] =	ssyncadd.s32 $0xFFFFD880  }
0x25: {  	s26 =	simm.s32 $0x0;
	[bflag:$0x0] =	sbarrier.arrive $0xFFFF  }
0x26: {  	[tilespmem:s20], [sflag:$0x1] =	stream.indirect.gather [hbm4b:s5+s19], $0x80, s26, s19, $0xb8;
	[tilespmem:$0x1D300] =	vst v63  }
0x27: {  	s28 =	simm.s32 $0x2800  }
0x28: {  	[tilespmem:s21], [sflag:$0x2] =	stream.indirect.gather [hbm4b:s6+s19], $0x1, s28, s19, $0xb8;
	[tilespmem:$0x1D300] =	vst v63  }
0x29: {  	_ =	swait.ge [sflag:s22], $0x4000  }
0x2a: {  	[sflag:s22] =	ssyncset.done $0x0  }
0x2b: {  	[sflag:s22] =	ssyncadd.s32 $0xFFFFC000  }
0x2c: {  	_ =	swait.ge [sflag:s23], $0x80  }
0x2d: {  	[sflag:s23] =	ssyncset.done $0x0  }
0x2e: {  	[sflag:s23] =	ssyncadd.s32 $0xFFFFFF80  }
0x2f: {  	[spmem:s2] =	stream.indirect.scatter.add.f32 [tilespmem:s20], [sflag:$0x3], $0x80, s28, s19, $0xb8;
	[tilespmem:$0x1D300] =	vst v63  }
0x30: {  	_ =	swait.ge [sflag:s16], $0x4000  }
0x31: {  	[sflag:s16] =	ssyncset.done $0x0  }
0x32: {  	[sflag:s16] =	ssyncadd.s32 $0xFFFFC000  }
0x33: {  	[spmem:s3] =	stream.indirect.scatter.add.f32 [tilespmem:s21], [sflag:$0x3], $0x1, s26, s19, $0xb8;
	[tilespmem:$0x1D300] =	vst v63  }
0x34: {  	_ =	swait.ge [sflag:s16], $0x80  }
0x35: {  	s28 =	simm.s32 $0x400;
	s26 =	simm.s32 $0x200;
	[sflag:s16] =	ssyncset.done $0x0  }
.LBB2_2:
0x36: {  	s29 =	sshra.s32 s26, $0x2  }
0x37: {  	[sflag:s16] =	ssyncadd.s32 $0xFFFFFF80;
	s26 =	smov.u32 s28;
	s30 =	sadd.s32 $0x200, s28  }
0x38: {  	[tilespmem:s20], [sflag:$0x1] =	stream.indirect.gather [hbm4b:s5+s19], $0x80, s29, s19, $0xb8;
	[tilespmem:$0x1D300] =	vst v63  }
0x39: {  	p0 =	sne.s32 s28, $0x9C00;
	s28 =	sadd.s32 $0x2800, s29  }
0x3a: {  	[tilespmem:s21], [sflag:$0x2] =	stream.indirect.gather [hbm4b:s6+s19], $0x1, s28, s19, $0xb8;
	[tilespmem:$0x1D300] =	vst v63  }
0x3b: {  	_ =	swait.ge [sflag:s22], $0x4000  }
0x3c: {  	[sflag:s22] =	ssyncset.done $0x0  }
0x3d: {  	[sflag:s22] =	ssyncadd.s32 $0xFFFFC000  }
0x3e: {  	_ =	swait.ge [sflag:s23], $0x80  }
0x3f: {  	[sflag:s23] =	ssyncset.done $0x0  }
0x40: {  	[sflag:s23] =	ssyncadd.s32 $0xFFFFFF80  }
0x41: {  	[spmem:s2] =	stream.indirect.scatter.add.f32 [tilespmem:s20], [sflag:$0x3], $0x80, s28, s19, $0xb8;
	[tilespmem:$0x1D300] =	vst v63  }
0x42: {  	_ =	swait.ge [sflag:s16], $0x4000  }
.Ltmp0:
0x43: {  	[sflag:s16] =	ssyncset.done $0x0;
	(pc) =	sbr.rel @p0 .LBB2_2-.Ltmp0, $4  }
0x44: {  	[sflag:s16] =	ssyncadd.s32 $0xFFFFC000  }
0x45: {  	[spmem:s3] =	stream.indirect.scatter.add.f32 [tilespmem:s21], [sflag:$0x3], $0x1, s29, s19, $0xb8;
	[tilespmem:$0x1D300] =	vst v63  }
0x46: {  	_ =	swait.ge [sflag:s16], $0x80  }
0x47: {  	s28 =	smov.u32 s30;
	[sflag:s16] =	ssyncset.done $0x0  }
0x48: {  	s26 =	sshra.s32 s26, $0x2;
	[sflag:s16] =	ssyncadd.s32 $0xFFFFFF80  }
0x49: {  	[tilespmem:s20], [sflag:$0x1] =	stream.indirect.gather [hbm4b:s5+s19], $0x80, s26, s19, $0xb8;
	[tilespmem:$0x1D300] =	vst v63  }
0x4a: {  	s28 =	sadd.s32 $0x2800, s26  }
0x4b: {  	[tilespmem:s21], [sflag:$0x2] =	stream.indirect.gather [hbm4b:s6+s19], $0x1, s28, s19, $0xb8;
	[tilespmem:$0x1D300] =	vst v63  }
0x4c: {  	_ =	swait.ge [sflag:s22], $0x4000  }
0x4d: {  	[sflag:s22] =	ssyncset.done $0x0  }
0x4e: {  	[sflag:s22] =	ssyncadd.s32 $0xFFFFC000  }
0x4f: {  	_ =	swait.ge [sflag:s23], $0x80  }
0x50: {  	[sflag:s23] =	ssyncset.done $0x0  }
0x51: {  	[sflag:s23] =	ssyncadd.s32 $0xFFFFFF80  }
0x52: {  	[spmem:s2] =	stream.indirect.scatter.add.f32 [tilespmem:s20], [sflag:$0x3], $0x80, s28, s19, $0xb8;
	[tilespmem:$0x1D300] =	vst v63  }
0x53: {  	_ =	swait.ge [sflag:s16], $0x4000  }
0x54: {  	[sflag:s16] =	ssyncset.done $0x0  }
0x55: {  	[sflag:s16] =	ssyncadd.s32 $0xFFFFC000  }
0x56: {  	[spmem:s3] =	stream.indirect.scatter.add.f32 [tilespmem:s21], [sflag:$0x3], $0x1, s26, s19, $0xb8;
	[tilespmem:$0x1D300] =	vst v63  }
0x57: {  	_ =	swait.ge [sflag:s16], $0x80  }
0x58: {  	[sflag:s16] =	ssyncset.done $0x0  }
0x59: {  	[sflag:s16] =	ssyncadd.s32 $0xFFFFFF80  }
0x5a: {  	[bflag:$0x0] =	sbarrier.arrive $0xFFFF  }
0x5b: {  	[hbm:s12], [sflag:s8] =	dma.local [spmem:s15], $0x2800  }
0x5c: {  	s25 =	sadd.s32 $0x1, s25;
	_ =	swait.ge [sflag:s16], $0x2800  }
0x5d: {  	p0 =	sne.s32 s25, s14;
	[sflag:s16] =	ssyncset.done $0x0  }
.Ltmp1:
0x5e: {  	[sflag:s16] =	ssyncadd.s32 $0xFFFFD800;
	(pc) =	sbr.rel @p0 .LBB2_1-.Ltmp1, $4  }
0x5f: {  	[hbm:s13@s19], [sflag:s8] =	dma.strided [spmem:s17@s24], $0x50, s22, $0x10   }
0x60: {  	_ =	swait.ge [sflag:s16], $0x50  }
0x61: {  	[sflag:s16] =	ssyncset.done $0x0  }
0x62: {  	[sflag:s16] =	ssyncadd.s32 $0xFFFFFFB0  }
0x63: {  	_ =	sfence.sel $0x180000  }
0x64: {  	[bflag:$0x0] =	sbarrier.arrive $0xFFFF  }
0x65: {  	p0 =	sne.s32 s1, $0x0;
	_ =	strace $0x9000004A  }
0x66: {  	s0 =	sadd.s32 @!p0 $0x100000, s0;
	[bflag:$0x2] =	sbarrier.arrive $0xFFFF  }
0x67: {  	[sflag:s0] =	ssyncadd.tile.s32 @!p0 $0x1;
	_ =	shalt  }
.Lfunc_end2:
_tile_overlayer_lowered:
.L_overlay_start_2:
0x68: {  	(tag) =	ssettag $0x2  }
0x69: {  	s0 =	rddreg [dreg:$0x0];
	s2 =	stileid.u32  }
0x6a: {  	s1 =	rddreg [dreg:$0x1];
	p0 =	sne.s32 s2, $0x0  }
0x6b: {  	s3 =	rddreg [dreg:$0x2];
	[bflag:$0x3] =	sbarrier.arrive $0xFFFF;
	s2 =	simm.s32 @!p0 $0x1C03  }
0x6c: {  	[timem:s3], [sflag:s2] =	dma.local @!p0 [hbm:s0], s1  }
0x6d: {  	s0 =	simm.s32 @!p0 $0x3  }
0x6e: {  	_ =	swait.ge @!p0 [sflag:s0], s1  }
0x6f: {  	s1 =	ssub.s32 @!p0 $0x0, s1;
	[sflag:s0] =	ssyncset.done @!p0 $0x0  }
0x70: {  	[sflag:s0] =	ssyncadd.s32 @!p0 s1  }
0x71: {  	[bflag:$0x3] =	sbarrier.arrive $0xFFFF  }
0x72: {  	_ =	shalt  }

</sc_bundles>
